<compile_context>
chip_gen: v7x
topology: tpu7x:2x2x1
jax: 0.10.2.dev20260603
libtpu: 0.0.44.dev20260713+nightly
codegen_flags: <defaults>
</compile_context>

<pallas_src>
import functools

import jax
import jax.numpy as jnp
from jax import lax
from jax.experimental import pallas as pl
from jax.experimental.pallas import tpu as pltpu
from jax.experimental.pallas import tpu_sc as plsc

B, L, D = 1024, 512, 64
SCALE = 8.0
LANE = 16

_info = plsc.get_sparse_core_info()
NC = _info.num_cores
NS = _info.num_subcores
NW = NC * NS
SEQ_PER_W = B // NW
CH = 128
NBUF = L // CH

_mesh = plsc.VectorSubcoreMesh(core_axis_name="c", subcore_axis_name="s")


@functools.partial(
    pl.kernel,
    mesh=_mesh,
    out_type=jax.ShapeDtypeStruct((B, L, D), jnp.float32),
    scratch_types=[
        pltpu.VMEM((SEQ_PER_W, L), jnp.int32),
        pltpu.VMEM((L, D), jnp.float32),
    ]
    + [pltpu.VMEM((CH, D), jnp.float32) for _ in range(NBUF)]
    + [pltpu.SemaphoreType.DMA for _ in range(2 * NBUF)],
    compiler_params=pltpu.CompilerParams(use_tc_tiling_on_sc=False),
)
def _emb_kernel(x_hbm, emb_hbm, pos_hbm, out_hbm, idx_v, pos_v, *bufs):
    rows = bufs[:NBUF]
    gsem = bufs[NBUF:2 * NBUF]
    osem = bufs[2 * NBUF:]
    wid = lax.axis_index("s") * NC + lax.axis_index("c")
    base_seq = wid * SEQ_PER_W
    pltpu.sync_copy(x_hbm.at[pl.ds(base_seq, SEQ_PER_W)], idx_v)
    pltpu.sync_copy(pos_hbm, pos_v)

    def gather(q, quarter, b):
        idx_ref = idx_v.at[q, pl.ds(quarter * CH, CH)]
        return pltpu.make_async_copy(emb_hbm.at[idx_ref], rows[b], gsem[b])

    def writeout(q, quarter, b):
        return pltpu.make_async_copy(
            rows[b], out_hbm.at[base_seq + q, pl.ds(quarter * CH, CH)], osem[b]
        )

    for b in range(NBUF - 1):
        gather(0, b, b).start()

    def seq_body(g, carry):
        for b in range(NBUF):
            gather(g, b, b).wait()

            @plsc.parallel_loop(0, CH, unroll=4)
            def _row(r):
                for d in range(D // LANE):
                    sl = pl.ds(d * LANE, LANE)
                    rows[b][r, sl] = rows[b][r, sl] * SCALE + pos_v[b * CH + r, sl]

            writeout(g, b, b).start()

            b3 = (b + NBUF - 1) % NBUF
            if b == 0:
                @pl.when(g >= 1)
                def _drain():
                    writeout(g - 1, NBUF - 1, b3).wait()

                gather(g, NBUF - 1, b3).start()
            else:
                @pl.when(g < SEQ_PER_W - 1)
                def _pref():
                    writeout(g, b - 1, b3).wait()
                    gather(g + 1, b - 1, b3).start()
        return carry

    lax.fori_loop(0, SEQ_PER_W, seq_body, 0)

    for b in range(NBUF):
        writeout(SEQ_PER_W - 1, b, b).wait()


def kernel(x, emb_table, pos_table):
    return _emb_kernel(x, emb_table, pos_table)

# --- scband reference (transcript-rebuilt; emitter-appended) ---
"""Pipeline reference for scband-transformer-embedding-20564303413668 (READ-ONLY COPY).

The authoritative reference and input builder live on the scoring server;
editing this copy changes nothing except your own understanding.
"""

import jax, jax.numpy as jnp
import numpy as np

EMB_SZ = 1000000
D_EMB = 64
MAX_SEQ_LEN = 512
SCALE = D_EMB ** 0.5


def setup_inputs(seed: int = 0) -> dict:
    key = jax.random.key(seed)
    k1, k2, k3 = jax.random.split(key, 3)
    x = jax.random.randint(k1, (1024, 512), 0, EMB_SZ, dtype=jnp.int64 if jax.config.jax_enable_x64 else jnp.int32)
    emb_table = (jax.random.truncated_normal(k2, -2.0, 2.0, (EMB_SZ, D_EMB), dtype=jnp.float32) * 0.02)
    pos_table = (jax.random.truncated_normal(k3, -2.0, 2.0, (MAX_SEQ_LEN, D_EMB), dtype=jnp.float32) * 0.02)
    return {"x": x, "emb_table": emb_table, "pos_table": pos_table}


def reference(x, emb_table, pos_table):
    # token embedding lookup (gather)
    tok = jnp.take(emb_table, x, axis=0)  # [B, L, D]
    tok = tok * SCALE
    # absolute positional embedding: emb(arange(L)) broadcast over batch
    L = x.shape[1]
    t = jnp.arange(L)
    pos = jnp.take(pos_table, t, axis=0)  # [L, D]
    out = tok + pos[None, :, :]
    # dropout p=0.0 is identity
    return out

if __name__ == "__main__":
    import jax
    _d = setup_inputs()
    print(jax.jit(kernel)(*tuple(_d.values())))

</pallas_src>

<mosaic_0001>
#map = affine_map<(d0, d1) -> (0, 0)>
#map1 = affine_map<(d0, d1) -> (0, 0, 0)>
module attributes {stable_mosaic.version = 14 : i64} {
  func.func @_emb_kernel(%arg0: i32, %arg1: i32, %arg2: memref<1024x512xi32, #tpu.memory_space<hbm>>, %arg3: memref<1000000x64xf32, #tpu.memory_space<hbm>>, %arg4: memref<512x64xf32, #tpu.memory_space<hbm>>, %arg5: memref<1024x512x64xf32, #tpu.memory_space<hbm>>, %arg6: memref<32x512xi32, #tpu.memory_space<vmem>>, %arg7: memref<512x64xf32, #tpu.memory_space<vmem>>, %arg8: memref<128x64xf32, #tpu.memory_space<vmem>>, %arg9: memref<128x64xf32, #tpu.memory_space<vmem>>, %arg10: memref<128x64xf32, #tpu.memory_space<vmem>>, %arg11: memref<128x64xf32, #tpu.memory_space<vmem>>, %arg12: memref<!tpu.dma_semaphore, #tpu.memory_space<semaphore_mem>>, %arg13: memref<!tpu.dma_semaphore, #tpu.memory_space<semaphore_mem>>, %arg14: memref<!tpu.dma_semaphore, #tpu.memory_space<semaphore_mem>>, %arg15: memref<!tpu.dma_semaphore, #tpu.memory_space<semaphore_mem>>, %arg16: memref<!tpu.dma_semaphore, #tpu.memory_space<semaphore_mem>>, %arg17: memref<!tpu.dma_semaphore, #tpu.memory_space<semaphore_mem>>, %arg18: memref<!tpu.dma_semaphore, #tpu.memory_space<semaphore_mem>>, %arg19: memref<!tpu.dma_semaphore, #tpu.memory_space<semaphore_mem>>) attributes {dimension_semantics = [#tpu.dimension_semantics<core_parallel>, #tpu.dimension_semantics<subcore_parallel>], iteration_bounds = array<i64: 2, 16>, scalar_prefetch = 0 : i64, scratch_operands = 14 : i64, tpu.core_type = #tpu.core_type<sc_vector_subcore>, window_params = [{transform_indices = #map}, {transform_indices = #map}, {transform_indices = #map}, {transform_indices = #map1}]} {
    %mul3A = arith.constant 2 : i32
    %mul3A_0 = arith.muli %arg1, %mul3A : i32
    %add3A = arith.addi %mul3A_0, %arg0 : i32
    %mul3A_1 = arith.constant 32 : i32
    %mul3A_2 = arith.muli %add3A, %mul3A_1 : i32
    "tpu.region"() ({
      %run_scoped3A = tpu.sem_alloc : memref<!tpu.dma_semaphore, #tpu.memory_space<semaphore_mem>>
      %dma_start3A_67 = arith.constant 0 : i32
      %dma_start3A_68 = tpu.memref_slice %arg2[%mul3A_2, %dma_start3A_67] : memref<1024x512xi32, #tpu.memory_space<hbm>> -> memref<32x512xi32, #tpu.memory_space<hbm>>
      %dma_start3A_69 = arith.constant 0 : i32
      %dma_start3A_70 = tpu.memref_slice %arg2[%mul3A_2, %dma_start3A_69] : memref<1024x512xi32, #tpu.memory_space<hbm>> -> memref<32x512xi32, #tpu.memory_space<hbm>>
      tpu.enqueue_dma source(%dma_start3A_70 : memref<32x512xi32, #tpu.memory_space<hbm>>) target(%arg6 : memref<32x512xi32, #tpu.memory_space<vmem>>) target_semaphore(%run_scoped3A : memref<!tpu.dma_semaphore, #tpu.memory_space<semaphore_mem>>)
      %dma_wait3A_71 = arith.constant 0 : i32
      %dma_wait3A_72 = tpu.memref_slice %arg2[%mul3A_2, %dma_wait3A_71] : memref<1024x512xi32, #tpu.memory_space<hbm>> -> memref<32x512xi32, #tpu.memory_space<hbm>>
      %dma_wait3A_73 = arith.constant 0 : i32
      %dma_wait3A_74 = tpu.memref_slice %arg2[%mul3A_2, %dma_wait3A_73] : memref<1024x512xi32, #tpu.memory_space<hbm>> -> memref<32x512xi32, #tpu.memory_space<hbm>>
      tpu.wait_dma2 semaphore(%run_scoped3A : memref<!tpu.dma_semaphore, #tpu.memory_space<semaphore_mem>>) src(%dma_wait3A_74 : memref<32x512xi32, #tpu.memory_space<hbm>>) dst(%arg6 : memref<32x512xi32, #tpu.memory_space<vmem>>)
      tpu.yield
    }) : () -> ()
    "tpu.region"() ({
      %run_scoped3A = tpu.sem_alloc : memref<!tpu.dma_semaphore, #tpu.memory_space<semaphore_mem>>
      tpu.enqueue_dma source(%arg4 : memref<512x64xf32, #tpu.memory_space<hbm>>) target(%arg7 : memref<512x64xf32, #tpu.memory_space<vmem>>) target_semaphore(%run_scoped3A : memref<!tpu.dma_semaphore, #tpu.memory_space<semaphore_mem>>)
      tpu.wait_dma2 semaphore(%run_scoped3A : memref<!tpu.dma_semaphore, #tpu.memory_space<semaphore_mem>>) src(%arg4 : memref<512x64xf32, #tpu.memory_space<hbm>>) dst(%arg7 : memref<512x64xf32, #tpu.memory_space<vmem>>)
      tpu.yield
    }) : () -> ()
    %dma_start3A = arith.constant 0 : i32
    %dma_start3A_3 = arith.constant 0 : i32
    %dma_start3A_4 = tpu.memref_slice %arg6[%dma_start3A, %dma_start3A_3] : memref<32x512xi32, #tpu.memory_space<vmem>> -> memref<1x128xi32, #tpu.memory_space<vmem>>
    %dma_start3A_5 = tpu.memref_squeeze %dma_start3A_4 : memref<1x128xi32, #tpu.memory_space<vmem>> -> memref<128xi32, #tpu.memory_space<vmem>>
    %dma_start3A_6 = arith.constant 0 : i32
    %dma_start3A_7 = arith.constant 0 : i32
    %dma_start3A_8 = tpu.memref_slice %arg3[%dma_start3A_6, %dma_start3A_7] : memref<1000000x64xf32, #tpu.memory_space<hbm>> -> memref<1000000x64xf32, #tpu.memory_space<hbm>>
    tpu.enqueue_indirect_dma source(%dma_start3A_8 : memref<1000000x64xf32, #tpu.memory_space<hbm>>) target(%arg8 : memref<128x64xf32, #tpu.memory_space<vmem>>) offsets(%dma_start3A_5 : memref<128xi32, #tpu.memory_space<vmem>>) semaphore(%arg12 : memref<!tpu.dma_semaphore, #tpu.memory_space<semaphore_mem>>)
    %dma_start3A_9 = arith.constant 0 : i32
    %dma_start3A_10 = arith.constant 128 : i32
    %dma_start3A_11 = tpu.memref_slice %arg6[%dma_start3A_9, %dma_start3A_10] : memref<32x512xi32, #tpu.memory_space<vmem>> -> memref<1x128xi32, #tpu.memory_space<vmem>>
    %dma_start3A_12 = tpu.memref_squeeze %dma_start3A_11 : memref<1x128xi32, #tpu.memory_space<vmem>> -> memref<128xi32, #tpu.memory_space<vmem>>
    %dma_start3A_13 = arith.constant 0 : i32
    %dma_start3A_14 = arith.constant 0 : i32
    %dma_start3A_15 = tpu.memref_slice %arg3[%dma_start3A_13, %dma_start3A_14] : memref<1000000x64xf32, #tpu.memory_space<hbm>> -> memref<1000000x64xf32, #tpu.memory_space<hbm>>
    tpu.enqueue_indirect_dma source(%dma_start3A_15 : memref<1000000x64xf32, #tpu.memory_space<hbm>>) target(%arg9 : memref<128x64xf32, #tpu.memory_space<vmem>>) offsets(%dma_start3A_12 : memref<128xi32, #tpu.memory_space<vmem>>) semaphore(%arg13 : memref<!tpu.dma_semaphore, #tpu.memory_space<semaphore_mem>>)
    %dma_start3A_16 = arith.constant 0 : i32
    %dma_start3A_17 = arith.constant 256 : i32
    %dma_start3A_18 = tpu.memref_slice %arg6[%dma_start3A_16, %dma_start3A_17] : memref<32x512xi32, #tpu.memory_space<vmem>> -> memref<1x128xi32, #tpu.memory_space<vmem>>
    %dma_start3A_19 = tpu.memref_squeeze %dma_start3A_18 : memref<1x128xi32, #tpu.memory_space<vmem>> -> memref<128xi32, #tpu.memory_space<vmem>>
    %dma_start3A_20 = arith.constant 0 : i32
    %dma_start3A_21 = arith.constant 0 : i32
    %dma_start3A_22 = tpu.memref_slice %arg3[%dma_start3A_20, %dma_start3A_21] : memref<1000000x64xf32, #tpu.memory_space<hbm>> -> memref<1000000x64xf32, #tpu.memory_space<hbm>>
    tpu.enqueue_indirect_dma source(%dma_start3A_22 : memref<1000000x64xf32, #tpu.memory_space<hbm>>) target(%arg10 : memref<128x64xf32, #tpu.memory_space<vmem>>) offsets(%dma_start3A_19 : memref<128xi32, #tpu.memory_space<vmem>>) semaphore(%arg14 : memref<!tpu.dma_semaphore, #tpu.memory_space<semaphore_mem>>)
    %scan3A = arith.constant 0 : i32
    %scan3A_23 = arith.constant 0 : i32
    %scan3A_24 = arith.constant 32 : i32
    %scan3A_25 = arith.addi %scan3A_23, %scan3A_24 : i32
    %scan3A_26 = arith.constant 1 : i32
    scf.for %scan3A_67 = %scan3A_23 to %scan3A_25 step %scan3A_26  : i32 {
      %dma_wait3A_68 = arith.constant 0 : i32
      %dma_wait3A_69 = tpu.memref_slice %arg6[%scan3A_67, %dma_wait3A_68] : memref<32x512xi32, #tpu.memory_space<vmem>> -> memref<1x128xi32, #tpu.memory_space<vmem>>
      %dma_wait3A_70 = tpu.memref_squeeze %dma_wait3A_69 : memref<1x128xi32, #tpu.memory_space<vmem>> -> memref<128xi32, #tpu.memory_space<vmem>>
      %dma_wait3A_71 = arith.constant 0 : i32
      %dma_wait3A_72 = arith.constant 0 : i32
      %dma_wait3A_73 = tpu.memref_slice %arg3[%dma_wait3A_71, %dma_wait3A_72] : memref<1000000x64xf32, #tpu.memory_space<hbm>> -> memref<1000000x64xf32, #tpu.memory_space<hbm>>
      tpu.wait_indirect_dma semaphore(%arg12 : memref<!tpu.dma_semaphore, #tpu.memory_space<semaphore_mem>>) src(%dma_wait3A_73 : memref<1000000x64xf32, #tpu.memory_space<hbm>>) dst(%arg8 : memref<128x64xf32, #tpu.memory_space<vmem>>)
      %parallel_loop3A = arith.constant 0 : i32
      %parallel_loop3A_74 = arith.constant 128 : i32
      %parallel_loop3A_75 = arith.constant 1 : i32
      scf.for %parallel_loop3A_161 = %parallel_loop3A to %parallel_loop3A_74 step %parallel_loop3A_75  : i32 {
        %parallel_loop3A_162 = arith.index_cast %parallel_loop3A_161 : i32 to index
        %parallel_loop3A_163 = arith.constant 0 : index
        %parallel_loop3A_164 = tpu.vector_load %arg8[%parallel_loop3A_162, %parallel_loop3A_163] {strides = array<i32>} : memref<128x64xf32, #tpu.memory_space<vmem>>, vector<1x16xf32>,
        %parallel_loop3A_165 = vector.shape_cast %parallel_loop3A_164 : vector<1x16xf32> to vector<16xf32>
        %parallel_loop3A_166 = arith.constant 8.000000e+00 : f32
        %parallel_loop3A_167 = vector.broadcast %parallel_loop3A_166 : f32 to vector<16xf32>
        %parallel_loop3A_168 = arith.mulf %parallel_loop3A_165, %parallel_loop3A_167 : vector<16xf32>
        %parallel_loop3A_169 = arith.constant 0 : i32
        %parallel_loop3A_170 = arith.addi %parallel_loop3A_169, %parallel_loop3A_161 : i32
        %parallel_loop3A_171 = arith.index_cast %parallel_loop3A_170 : i32 to index
        %parallel_loop3A_172 = arith.constant 0 : index
        %parallel_loop3A_173 = tpu.vector_load %arg7[%parallel_loop3A_171, %parallel_loop3A_172] {strides = array<i32>} : memref<512x64xf32, #tpu.memory_space<vmem>>, vector<1x16xf32>,
        %parallel_loop3A_174 = vector.shape_cast %parallel_loop3A_173 : vector<1x16xf32> to vector<16xf32>
        %parallel_loop3A_175 = arith.addf %parallel_loop3A_168, %parallel_loop3A_174 : vector<16xf32>
        %parallel_loop3A_176 = arith.index_cast %parallel_loop3A_161 : i32 to index
        %parallel_loop3A_177 = arith.constant 0 : index
        %parallel_loop3A_178 = tpu.vector_load %arg8[%parallel_loop3A_176, %parallel_loop3A_177] {strides = array<i32>} : memref<128x64xf32, #tpu.memory_space<vmem>>, vector<1x16xf32>,
        %parallel_loop3A_179 = vector.shape_cast %parallel_loop3A_178 : vector<1x16xf32> to vector<16xf32>
        %parallel_loop3A_180 = vector.shape_cast %parallel_loop3A_175 : vector<16xf32> to vector<1x16xf32>
        tpu.vector_store %arg8[%parallel_loop3A_176, %parallel_loop3A_177], %parallel_loop3A_180 {strides = array<i32>} : memref<128x64xf32, #tpu.memory_space<vmem>>, vector<1x16xf32>,
        %parallel_loop3A_181 = arith.index_cast %parallel_loop3A_161 : i32 to index
        %parallel_loop3A_182 = arith.constant 16 : index
        %parallel_loop3A_183 = tpu.vector_load %arg8[%parallel_loop3A_181, %parallel_loop3A_182] {strides = array<i32>} : memref<128x64xf32, #tpu.memory_space<vmem>>, vector<1x16xf32>,
        %parallel_loop3A_184 = vector.shape_cast %parallel_loop3A_183 : vector<1x16xf32> to vector<16xf32>
        %parallel_loop3A_185 = arith.constant 8.000000e+00 : f32
        %parallel_loop3A_186 = vector.broadcast %parallel_loop3A_185 : f32 to vector<16xf32>
        %parallel_loop3A_187 = arith.mulf %parallel_loop3A_184, %parallel_loop3A_186 : vector<16xf32>
        %parallel_loop3A_188 = arith.constant 0 : i32
        %parallel_loop3A_189 = arith.addi %parallel_loop3A_188, %parallel_loop3A_161 : i32
        %parallel_loop3A_190 = arith.index_cast %parallel_loop3A_189 : i32 to index
        %parallel_loop3A_191 = arith.constant 16 : index
        %parallel_loop3A_192 = tpu.vector_load %arg7[%parallel_loop3A_190, %parallel_loop3A_191] {strides = array<i32>} : memref<512x64xf32, #tpu.memory_space<vmem>>, vector<1x16xf32>,
        %parallel_loop3A_193 = vector.shape_cast %parallel_loop3A_192 : vector<1x16xf32> to vector<16xf32>
        %parallel_loop3A_194 = arith.addf %parallel_loop3A_187, %parallel_loop3A_193 : vector<16xf32>
        %parallel_loop3A_195 = arith.index_cast %parallel_loop3A_161 : i32 to index
        %parallel_loop3A_196 = arith.constant 16 : index
        %parallel_loop3A_197 = tpu.vector_load %arg8[%parallel_loop3A_195, %parallel_loop3A_196] {strides = array<i32>} : memref<128x64xf32, #tpu.memory_space<vmem>>, vector<1x16xf32>,
        %parallel_loop3A_198 = vector.shape_cast %parallel_loop3A_197 : vector<1x16xf32> to vector<16xf32>
        %parallel_loop3A_199 = vector.shape_cast %parallel_loop3A_194 : vector<16xf32> to vector<1x16xf32>
        tpu.vector_store %arg8[%parallel_loop3A_195, %parallel_loop3A_196], %parallel_loop3A_199 {strides = array<i32>} : memref<128x64xf32, #tpu.memory_space<vmem>>, vector<1x16xf32>,
        %parallel_loop3A_200 = arith.index_cast %parallel_loop3A_161 : i32 to index
        %parallel_loop3A_201 = arith.constant 32 : index
        %parallel_loop3A_202 = tpu.vector_load %arg8[%parallel_loop3A_200, %parallel_loop3A_201] {strides = array<i32>} : memref<128x64xf32, #tpu.memory_space<vmem>>, vector<1x16xf32>,
        %parallel_loop3A_203 = vector.shape_cast %parallel_loop3A_202 : vector<1x16xf32> to vector<16xf32>
        %parallel_loop3A_204 = arith.constant 8.000000e+00 : f32
        %parallel_loop3A_205 = vector.broadcast %parallel_loop3A_204 : f32 to vector<16xf32>
        %parallel_loop3A_206 = arith.mulf %parallel_loop3A_203, %parallel_loop3A_205 : vector<16xf32>
        %parallel_loop3A_207 = arith.constant 0 : i32
        %parallel_loop3A_208 = arith.addi %parallel_loop3A_207, %parallel_loop3A_161 : i32
        %parallel_loop3A_209 = arith.index_cast %parallel_loop3A_208 : i32 to index
        %parallel_loop3A_210 = arith.constant 32 : index
        %parallel_loop3A_211 = tpu.vector_load %arg7[%parallel_loop3A_209, %parallel_loop3A_210] {strides = array<i32>} : memref<512x64xf32, #tpu.memory_space<vmem>>, vector<1x16xf32>,
        %parallel_loop3A_212 = vector.shape_cast %parallel_loop3A_211 : vector<1x16xf32> to vector<16xf32>
        %parallel_loop3A_213 = arith.addf %parallel_loop3A_206, %parallel_loop3A_212 : vector<16xf32>
        %parallel_loop3A_214 = arith.index_cast %parallel_loop3A_161 : i32 to index
        %parallel_loop3A_215 = arith.constant 32 : index
        %parallel_loop3A_216 = tpu.vector_load %arg8[%parallel_loop3A_214, %parallel_loop3A_215] {strides = array<i32>} : memref<128x64xf32, #tpu.memory_space<vmem>>, vector<1x16xf32>,
        %parallel_loop3A_217 = vector.shape_cast %parallel_loop3A_216 : vector<1x16xf32> to vector<16xf32>
        %parallel_loop3A_218 = vector.shape_cast %parallel_loop3A_213 : vector<16xf32> to vector<1x16xf32>
        tpu.vector_store %arg8[%parallel_loop3A_214, %parallel_loop3A_215], %parallel_loop3A_218 {strides = array<i32>} : memref<128x64xf32, #tpu.memory_space<vmem>>, vector<1x16xf32>,
        %parallel_loop3A_219 = arith.index_cast %parallel_loop3A_161 : i32 to index
        %parallel_loop3A_220 = arith.constant 48 : index
        %parallel_loop3A_221 = tpu.vector_load %arg8[%parallel_loop3A_219, %parallel_loop3A_220] {strides = array<i32>} : memref<128x64xf32, #tpu.memory_space<vmem>>, vector<1x16xf32>,
        %parallel_loop3A_222 = vector.shape_cast %parallel_loop3A_221 : vector<1x16xf32> to vector<16xf32>
        %parallel_loop3A_223 = arith.constant 8.000000e+00 : f32
        %parallel_loop3A_224 = vector.broadcast %parallel_loop3A_223 : f32 to vector<16xf32>
        %parallel_loop3A_225 = arith.mulf %parallel_loop3A_222, %parallel_loop3A_224 : vector<16xf32>
        %parallel_loop3A_226 = arith.constant 0 : i32
        %parallel_loop3A_227 = arith.addi %parallel_loop3A_226, %parallel_loop3A_161 : i32
        %parallel_loop3A_228 = arith.index_cast %parallel_loop3A_227 : i32 to index
        %parallel_loop3A_229 = arith.constant 48 : index
        %parallel_loop3A_230 = tpu.vector_load %arg7[%parallel_loop3A_228, %parallel_loop3A_229] {strides = array<i32>} : memref<512x64xf32, #tpu.memory_space<vmem>>, vector<1x16xf32>,
        %parallel_loop3A_231 = vector.shape_cast %parallel_loop3A_230 : vector<1x16xf32> to vector<16xf32>
        %parallel_loop3A_232 = arith.addf %parallel_loop3A_225, %parallel_loop3A_231 : vector<16xf32>
        %parallel_loop3A_233 = arith.index_cast %parallel_loop3A_161 : i32 to index
        %parallel_loop3A_234 = arith.constant 48 : index
        %parallel_loop3A_235 = tpu.vector_load %arg8[%parallel_loop3A_233, %parallel_loop3A_234] {strides = array<i32>} : memref<128x64xf32, #tpu.memory_space<vmem>>, vector<1x16xf32>,
        %parallel_loop3A_236 = vector.shape_cast %parallel_loop3A_235 : vector<1x16xf32> to vector<16xf32>
        %parallel_loop3A_237 = vector.shape_cast %parallel_loop3A_232 : vector<16xf32> to vector<1x16xf32>
        tpu.vector_store %arg8[%parallel_loop3A_233, %parallel_loop3A_234], %parallel_loop3A_237 {strides = array<i32>} : memref<128x64xf32, #tpu.memory_space<vmem>>, vector<1x16xf32>,
      } {sc.loop_unroll_factor = 4 : i64, sc.parallel_access}
      %add3A_76 = arith.addi %mul3A_2, %scan3A_67 : i32
      %dma_start3A_77 = arith.constant 0 : i32
      %dma_start3A_78 = arith.constant 0 : i32
      %dma_start3A_79 = tpu.memref_slice %arg5[%add3A_76, %dma_start3A_77, %dma_start3A_78] : memref<1024x512x64xf32, #tpu.memory_space<hbm>> -> memref<1x128x64xf32, #tpu.memory_space<hbm>>
      %dma_start3A_80 = tpu.memref_squeeze %dma_start3A_79 : memref<1x128x64xf32, #tpu.memory_space<hbm>> -> memref<128x64xf32, #tpu.memory_space<hbm>>
      %dma_start3A_81 = arith.constant 0 : i32
      %dma_start3A_82 = arith.constant 0 : i32
      %dma_start3A_83 = tpu.memref_slice %arg5[%add3A_76, %dma_start3A_81, %dma_start3A_82] : memref<1024x512x64xf32, #tpu.memory_space<hbm>> -> memref<1x128x64xf32, #tpu.memory_space<hbm>>
      %dma_start3A_84 = tpu.memref_squeeze %dma_start3A_83 : memref<1x128x64xf32, #tpu.memory_space<hbm>> -> memref<128x64xf32, #tpu.memory_space<hbm>>
      tpu.enqueue_dma source(%arg8 : memref<128x64xf32, #tpu.memory_space<vmem>>) target(%dma_start3A_84 : memref<128x64xf32, #tpu.memory_space<hbm>>) target_semaphore(%arg16 : memref<!tpu.dma_semaphore, #tpu.memory_space<semaphore_mem>>)
      %ge3A = arith.constant 1 : i32
      %ge3A_85 = arith.cmpi sge, %scan3A_67, %ge3A : i32
      %convert_element_type3A = arith.extui %ge3A_85 : i1 to i32
      %cond3A = arith.constant 0 : i32
      %cond3A_86 = arith.cmpi ne, %convert_element_type3A, %cond3A : i32
      scf.if %cond3A_86 {
        %sub3A = arith.constant 1 : i32
        %sub3A_161 = arith.subi %scan3A_67, %sub3A : i32
        %add3A_162 = arith.addi %mul3A_2, %sub3A_161 : i32
        %dma_wait3A_163 = arith.constant 384 : i32
        %dma_wait3A_164 = arith.constant 0 : i32
        %dma_wait3A_165 = tpu.memref_slice %arg5[%add3A_162, %dma_wait3A_163, %dma_wait3A_164] : memref<1024x512x64xf32, #tpu.memory_space<hbm>> -> memref<1x128x64xf32, #tpu.memory_space<hbm>>
        %dma_wait3A_166 = tpu.memref_squeeze %dma_wait3A_165 : memref<1x128x64xf32, #tpu.memory_space<hbm>> -> memref<128x64xf32, #tpu.memory_space<hbm>>
        %dma_wait3A_167 = arith.constant 384 : i32
        %dma_wait3A_168 = arith.constant 0 : i32
        %dma_wait3A_169 = tpu.memref_slice %arg5[%add3A_162, %dma_wait3A_167, %dma_wait3A_168] : memref<1024x512x64xf32, #tpu.memory_space<hbm>> -> memref<1x128x64xf32, #tpu.memory_space<hbm>>
        %dma_wait3A_170 = tpu.memref_squeeze %dma_wait3A_169 : memref<1x128x64xf32, #tpu.memory_space<hbm>> -> memref<128x64xf32, #tpu.memory_space<hbm>>
        tpu.wait_dma2 semaphore(%arg19 : memref<!tpu.dma_semaphore, #tpu.memory_space<semaphore_mem>>) src(%arg11 : memref<128x64xf32, #tpu.memory_space<vmem>>) dst(%dma_wait3A_170 : memref<128x64xf32, #tpu.memory_space<hbm>>)
      } else {
      }
      %dma_start3A_87 = arith.constant 384 : i32
      %dma_start3A_88 = tpu.memref_slice %arg6[%scan3A_67, %dma_start3A_87] : memref<32x512xi32, #tpu.memory_space<vmem>> -> memref<1x128xi32, #tpu.memory_space<vmem>>
      %dma_start3A_89 = tpu.memref_squeeze %dma_start3A_88 : memref<1x128xi32, #tpu.memory_space<vmem>> -> memref<128xi32, #tpu.memory_space<vmem>>
      %dma_start3A_90 = arith.constant 0 : i32
      %dma_start3A_91 = arith.constant 0 : i32
      %dma_start3A_92 = tpu.memref_slice %arg3[%dma_start3A_90, %dma_start3A_91] : memref<1000000x64xf32, #tpu.memory_space<hbm>> -> memref<1000000x64xf32, #tpu.memory_space<hbm>>
      tpu.enqueue_indirect_dma source(%dma_start3A_92 : memref<1000000x64xf32, #tpu.memory_space<hbm>>) target(%arg11 : memref<128x64xf32, #tpu.memory_space<vmem>>) offsets(%dma_start3A_89 : memref<128xi32, #tpu.memory_space<vmem>>) semaphore(%arg15 : memref<!tpu.dma_semaphore, #tpu.memory_space<semaphore_mem>>)
      %dma_wait3A_93 = arith.constant 128 : i32
      %dma_wait3A_94 = tpu.memref_slice %arg6[%scan3A_67, %dma_wait3A_93] : memref<32x512xi32, #tpu.memory_space<vmem>> -> memref<1x128xi32, #tpu.memory_space<vmem>>
      %dma_wait3A_95 = tpu.memref_squeeze %dma_wait3A_94 : memref<1x128xi32, #tpu.memory_space<vmem>> -> memref<128xi32, #tpu.memory_space<vmem>>
      %dma_wait3A_96 = arith.constant 0 : i32
      %dma_wait3A_97 = arith.constant 0 : i32
      %dma_wait3A_98 = tpu.memref_slice %arg3[%dma_wait3A_96, %dma_wait3A_97] : memref<1000000x64xf32, #tpu.memory_space<hbm>> -> memref<1000000x64xf32, #tpu.memory_space<hbm>>
      tpu.wait_indirect_dma semaphore(%arg13 : memref<!tpu.dma_semaphore, #tpu.memory_space<semaphore_mem>>) src(%dma_wait3A_98 : memref<1000000x64xf32, #tpu.memory_space<hbm>>) dst(%arg9 : memref<128x64xf32, #tpu.memory_space<vmem>>)
      %parallel_loop3A_99 = arith.constant 0 : i32
      %parallel_loop3A_100 = arith.constant 128 : i32
      %parallel_loop3A_101 = arith.constant 1 : i32
      scf.for %parallel_loop3A_161 = %parallel_loop3A_99 to %parallel_loop3A_100 step %parallel_loop3A_101  : i32 {
        %parallel_loop3A_162 = arith.index_cast %parallel_loop3A_161 : i32 to index
        %parallel_loop3A_163 = arith.constant 0 : index
        %parallel_loop3A_164 = tpu.vector_load %arg9[%parallel_loop3A_162, %parallel_loop3A_163] {strides = array<i32>} : memref<128x64xf32, #tpu.memory_space<vmem>>, vector<1x16xf32>,
        %parallel_loop3A_165 = vector.shape_cast %parallel_loop3A_164 : vector<1x16xf32> to vector<16xf32>
        %parallel_loop3A_166 = arith.constant 8.000000e+00 : f32
        %parallel_loop3A_167 = vector.broadcast %parallel_loop3A_166 : f32 to vector<16xf32>
        %parallel_loop3A_168 = arith.mulf %parallel_loop3A_165, %parallel_loop3A_167 : vector<16xf32>
        %parallel_loop3A_169 = arith.constant 128 : i32
        %parallel_loop3A_170 = arith.addi %parallel_loop3A_169, %parallel_loop3A_161 : i32
        %parallel_loop3A_171 = arith.index_cast %parallel_loop3A_170 : i32 to index
        %parallel_loop3A_172 = arith.constant 0 : index
        %parallel_loop3A_173 = tpu.vector_load %arg7[%parallel_loop3A_171, %parallel_loop3A_172] {strides = array<i32>} : memref<512x64xf32, #tpu.memory_space<vmem>>, vector<1x16xf32>,
        %parallel_loop3A_174 = vector.shape_cast %parallel_loop3A_173 : vector<1x16xf32> to vector<16xf32>
        %parallel_loop3A_175 = arith.addf %parallel_loop3A_168, %parallel_loop3A_174 : vector<16xf32>
        %parallel_loop3A_176 = arith.index_cast %parallel_loop3A_161 : i32 to index
        %parallel_loop3A_177 = arith.constant 0 : index
        %parallel_loop3A_178 = tpu.vector_load %arg9[%parallel_loop3A_176, %parallel_loop3A_177] {strides = array<i32>} : memref<128x64xf32, #tpu.memory_space<vmem>>, vector<1x16xf32>,
        %parallel_loop3A_179 = vector.shape_cast %parallel_loop3A_178 : vector<1x16xf32> to vector<16xf32>
        %parallel_loop3A_180 = vector.shape_cast %parallel_loop3A_175 : vector<16xf32> to vector<1x16xf32>
        tpu.vector_store %arg9[%parallel_loop3A_176, %parallel_loop3A_177], %parallel_loop3A_180 {strides = array<i32>} : memref<128x64xf32, #tpu.memory_space<vmem>>, vector<1x16xf32>,
        %parallel_loop3A_181 = arith.index_cast %parallel_loop3A_161 : i32 to index
        %parallel_loop3A_182 = arith.constant 16 : index
        %parallel_loop3A_183 = tpu.vector_load %arg9[%parallel_loop3A_181, %parallel_loop3A_182] {strides = array<i32>} : memref<128x64xf32, #tpu.memory_space<vmem>>, vector<1x16xf32>,
        %parallel_loop3A_184 = vector.shape_cast %parallel_loop3A_183 : vector<1x16xf32> to vector<16xf32>
        %parallel_loop3A_185 = arith.constant 8.000000e+00 : f32
        %parallel_loop3A_186 = vector.broadcast %parallel_loop3A_185 : f32 to vector<16xf32>
        %parallel_loop3A_187 = arith.mulf %parallel_loop3A_184, %parallel_loop3A_186 : vector<16xf32>
        %parallel_loop3A_188 = arith.constant 128 : i32
        %parallel_loop3A_189 = arith.addi %parallel_loop3A_188, %parallel_loop3A_161 : i32
        %parallel_loop3A_190 = arith.index_cast %parallel_loop3A_189 : i32 to index
        %parallel_loop3A_191 = arith.constant 16 : index
        %parallel_loop3A_192 = tpu.vector_load %arg7[%parallel_loop3A_190, %parallel_loop3A_191] {strides = array<i32>} : memref<512x64xf32, #tpu.memory_space<vmem>>, vector<1x16xf32>,
        %parallel_loop3A_193 = vector.shape_cast %parallel_loop3A_192 : vector<1x16xf32> to vector<16xf32>
        %parallel_loop3A_194 = arith.addf %parallel_loop3A_187, %parallel_loop3A_193 : vector<16xf32>
        %parallel_loop3A_195 = arith.index_cast %parallel_loop3A_161 : i32 to index
        %parallel_loop3A_196 = arith.constant 16 : index
        %parallel_loop3A_197 = tpu.vector_load %arg9[%parallel_loop3A_195, %parallel_loop3A_196] {strides = array<i32>} : memref<128x64xf32, #tpu.memory_space<vmem>>, vector<1x16xf32>,
        %parallel_loop3A_198 = vector.shape_cast %parallel_loop3A_197 : vector<1x16xf32> to vector<16xf32>
        %parallel_loop3A_199 = vector.shape_cast %parallel_loop3A_194 : vector<16xf32> to vector<1x16xf32>
        tpu.vector_store %arg9[%parallel_loop3A_195, %parallel_loop3A_196], %parallel_loop3A_199 {strides = array<i32>} : memref<128x64xf32, #tpu.memory_space<vmem>>, vector<1x16xf32>,
        %parallel_loop3A_200 = arith.index_cast %parallel_loop3A_161 : i32 to index
        %parallel_loop3A_201 = arith.constant 32 : index
        %parallel_loop3A_202 = tpu.vector_load %arg9[%parallel_loop3A_200, %parallel_loop3A_201] {strides = array<i32>} : memref<128x64xf32, #tpu.memory_space<vmem>>, vector<1x16xf32>,
        %parallel_loop3A_203 = vector.shape_cast %parallel_loop3A_202 : vector<1x16xf32> to vector<16xf32>
        %parallel_loop3A_204 = arith.constant 8.000000e+00 : f32
        %parallel_loop3A_205 = vector.broadcast %parallel_loop3A_204 : f32 to vector<16xf32>
        %parallel_loop3A_206 = arith.mulf %parallel_loop3A_203, %parallel_loop3A_205 : vector<16xf32>
        %parallel_loop3A_207 = arith.constant 128 : i32
        %parallel_loop3A_208 = arith.addi %parallel_loop3A_207, %parallel_loop3A_161 : i32
        %parallel_loop3A_209 = arith.index_cast %parallel_loop3A_208 : i32 to index
        %parallel_loop3A_210 = arith.constant 32 : index
        %parallel_loop3A_211 = tpu.vector_load %arg7[%parallel_loop3A_209, %parallel_loop3A_210] {strides = array<i32>} : memref<512x64xf32, #tpu.memory_space<vmem>>, vector<1x16xf32>,
        %parallel_loop3A_212 = vector.shape_cast %parallel_loop3A_211 : vector<1x16xf32> to vector<16xf32>
        %parallel_loop3A_213 = arith.addf %parallel_loop3A_206, %parallel_loop3A_212 : vector<16xf32>
        %parallel_loop3A_214 = arith.index_cast %parallel_loop3A_161 : i32 to index
        %parallel_loop3A_215 = arith.constant 32 : index
        %parallel_loop3A_216 = tpu.vector_load %arg9[%parallel_loop3A_214, %parallel_loop3A_215] {strides = array<i32>} : memref<128x64xf32, #tpu.memory_space<vmem>>, vector<1x16xf32>,
        %parallel_loop3A_217 = vector.shape_cast %parallel_loop3A_216 : vector<1x16xf32> to vector<16xf32>
        %parallel_loop3A_218 = vector.shape_cast %parallel_loop3A_213 : vector<16xf32> to vector<1x16xf32>
        tpu.vector_store %arg9[%parallel_loop3A_214, %parallel_loop3A_215], %parallel_loop3A_218 {strides = array<i32>} : memref<128x64xf32, #tpu.memory_space<vmem>>, vector<1x16xf32>,
        %parallel_loop3A_219 = arith.index_cast %parallel_loop3A_161 : i32 to index
        %parallel_loop3A_220 = arith.constant 48 : index
        %parallel_loop3A_221 = tpu.vector_load %arg9[%parallel_loop3A_219, %parallel_loop3A_220] {strides = array<i32>} : memref<128x64xf32, #tpu.memory_space<vmem>>, vector<1x16xf32>,
        %parallel_loop3A_222 = vector.shape_cast %parallel_loop3A_221 : vector<1x16xf32> to vector<16xf32>
        %parallel_loop3A_223 = arith.constant 8.000000e+00 : f32
        %parallel_loop3A_224 = vector.broadcast %parallel_loop3A_223 : f32 to vector<16xf32>
        %parallel_loop3A_225 = arith.mulf %parallel_loop3A_222, %parallel_loop3A_224 : vector<16xf32>
        %parallel_loop3A_226 = arith.constant 128 : i32
        %parallel_loop3A_227 = arith.addi %parallel_loop3A_226, %parallel_loop3A_161 : i32
        %parallel_loop3A_228 = arith.index_cast %parallel_loop3A_227 : i32 to index
        %parallel_loop3A_229 = arith.constant 48 : index
        %parallel_loop3A_230 = tpu.vector_load %arg7[%parallel_loop3A_228, %parallel_loop3A_229] {strides = array<i32>} : memref<512x64xf32, #tpu.memory_space<vmem>>, vector<1x16xf32>,
        %parallel_loop3A_231 = vector.shape_cast %parallel_loop3A_230 : vector<1x16xf32> to vector<16xf32>
        %parallel_loop3A_232 = arith.addf %parallel_loop3A_225, %parallel_loop3A_231 : vector<16xf32>
        %parallel_loop3A_233 = arith.index_cast %parallel_loop3A_161 : i32 to index
        %parallel_loop3A_234 = arith.constant 48 : index
        %parallel_loop3A_235 = tpu.vector_load %arg9[%parallel_loop3A_233, %parallel_loop3A_234] {strides = array<i32>} : memref<128x64xf32, #tpu.memory_space<vmem>>, vector<1x16xf32>,
        %parallel_loop3A_236 = vector.shape_cast %parallel_loop3A_235 : vector<1x16xf32> to vector<16xf32>
        %parallel_loop3A_237 = vector.shape_cast %parallel_loop3A_232 : vector<16xf32> to vector<1x16xf32>
        tpu.vector_store %arg9[%parallel_loop3A_233, %parallel_loop3A_234], %parallel_loop3A_237 {strides = array<i32>} : memref<128x64xf32, #tpu.memory_space<vmem>>, vector<1x16xf32>,
      } {sc.loop_unroll_factor = 4 : i64, sc.parallel_access}
      %add3A_102 = arith.addi %mul3A_2, %scan3A_67 : i32
      %dma_start3A_103 = arith.constant 128 : i32
      %dma_start3A_104 = arith.constant 0 : i32
      %dma_start3A_105 = tpu.memref_slice %arg5[%add3A_102, %dma_start3A_103, %dma_start3A_104] : memref<1024x512x64xf32, #tpu.memory_space<hbm>> -> memref<1x128x64xf32, #tpu.memory_space<hbm>>
      %dma_start3A_106 = tpu.memref_squeeze %dma_start3A_105 : memref<1x128x64xf32, #tpu.memory_space<hbm>> -> memref<128x64xf32, #tpu.memory_space<hbm>>
      %dma_start3A_107 = arith.constant 128 : i32
      %dma_start3A_108 = arith.constant 0 : i32
      %dma_start3A_109 = tpu.memref_slice %arg5[%add3A_102, %dma_start3A_107, %dma_start3A_108] : memref<1024x512x64xf32, #tpu.memory_space<hbm>> -> memref<1x128x64xf32, #tpu.memory_space<hbm>>
      %dma_start3A_110 = tpu.memref_squeeze %dma_start3A_109 : memref<1x128x64xf32, #tpu.memory_space<hbm>> -> memref<128x64xf32, #tpu.memory_space<hbm>>
      tpu.enqueue_dma source(%arg9 : memref<128x64xf32, #tpu.memory_space<vmem>>) target(%dma_start3A_110 : memref<128x64xf32, #tpu.memory_space<hbm>>) target_semaphore(%arg17 : memref<!tpu.dma_semaphore, #tpu.memory_space<semaphore_mem>>)
      %lt3A = arith.constant 31 : i32
      %lt3A_111 = arith.cmpi slt, %scan3A_67, %lt3A : i32
      %convert_element_type3A_112 = arith.extui %lt3A_111 : i1 to i32
      %cond3A_113 = arith.constant 0 : i32
      %cond3A_114 = arith.cmpi ne, %convert_element_type3A_112, %cond3A_113 : i32
      scf.if %cond3A_114 {
        %add3A_161 = arith.addi %mul3A_2, %scan3A_67 : i32
        %dma_wait3A_162 = arith.constant 0 : i32
        %dma_wait3A_163 = arith.constant 0 : i32
        %dma_wait3A_164 = tpu.memref_slice %arg5[%add3A_161, %dma_wait3A_162, %dma_wait3A_163] : memref<1024x512x64xf32, #tpu.memory_space<hbm>> -> memref<1x128x64xf32, #tpu.memory_space<hbm>>
        %dma_wait3A_165 = tpu.memref_squeeze %dma_wait3A_164 : memref<1x128x64xf32, #tpu.memory_space<hbm>> -> memref<128x64xf32, #tpu.memory_space<hbm>>
        %dma_wait3A_166 = arith.constant 0 : i32
        %dma_wait3A_167 = arith.constant 0 : i32
        %dma_wait3A_168 = tpu.memref_slice %arg5[%add3A_161, %dma_wait3A_166, %dma_wait3A_167] : memref<1024x512x64xf32, #tpu.memory_space<hbm>> -> memref<1x128x64xf32, #tpu.memory_space<hbm>>
        %dma_wait3A_169 = tpu.memref_squeeze %dma_wait3A_168 : memref<1x128x64xf32, #tpu.memory_space<hbm>> -> memref<128x64xf32, #tpu.memory_space<hbm>>
        tpu.wait_dma2 semaphore(%arg16 : memref<!tpu.dma_semaphore, #tpu.memory_space<semaphore_mem>>) src(%arg8 : memref<128x64xf32, #tpu.memory_space<vmem>>) dst(%dma_wait3A_169 : memref<128x64xf32, #tpu.memory_space<hbm>>)
        %add3A_170 = arith.constant 1 : i32
        %add3A_171 = arith.addi %scan3A_67, %add3A_170 : i32
        %dma_start3A_172 = arith.constant 0 : i32
        %dma_start3A_173 = tpu.memref_slice %arg6[%add3A_171, %dma_start3A_172] : memref<32x512xi32, #tpu.memory_space<vmem>> -> memref<1x128xi32, #tpu.memory_space<vmem>>
        %dma_start3A_174 = tpu.memref_squeeze %dma_start3A_173 : memref<1x128xi32, #tpu.memory_space<vmem>> -> memref<128xi32, #tpu.memory_space<vmem>>
        %dma_start3A_175 = arith.constant 0 : i32
        %dma_start3A_176 = arith.constant 0 : i32
        %dma_start3A_177 = tpu.memref_slice %arg3[%dma_start3A_175, %dma_start3A_176] : memref<1000000x64xf32, #tpu.memory_space<hbm>> -> memref<1000000x64xf32, #tpu.memory_space<hbm>>
        tpu.enqueue_indirect_dma source(%dma_start3A_177 : memref<1000000x64xf32, #tpu.memory_space<hbm>>) target(%arg8 : memref<128x64xf32, #tpu.memory_space<vmem>>) offsets(%dma_start3A_174 : memref<128xi32, #tpu.memory_space<vmem>>) semaphore(%arg12 : memref<!tpu.dma_semaphore, #tpu.memory_space<semaphore_mem>>)
      } else {
      }
      %dma_wait3A_115 = arith.constant 256 : i32
      %dma_wait3A_116 = tpu.memref_slice %arg6[%scan3A_67, %dma_wait3A_115] : memref<32x512xi32, #tpu.memory_space<vmem>> -> memref<1x128xi32, #tpu.memory_space<vmem>>
      %dma_wait3A_117 = tpu.memref_squeeze %dma_wait3A_116 : memref<1x128xi32, #tpu.memory_space<vmem>> -> memref<128xi32, #tpu.memory_space<vmem>>
      %dma_wait3A_118 = arith.constant 0 : i32
      %dma_wait3A_119 = arith.constant 0 : i32
      %dma_wait3A_120 = tpu.memref_slice %arg3[%dma_wait3A_118, %dma_wait3A_119] : memref<1000000x64xf32, #tpu.memory_space<hbm>> -> memref<1000000x64xf32, #tpu.memory_space<hbm>>
      tpu.wait_indirect_dma semaphore(%arg14 : memref<!tpu.dma_semaphore, #tpu.memory_space<semaphore_mem>>) src(%dma_wait3A_120 : memref<1000000x64xf32, #tpu.memory_space<hbm>>) dst(%arg10 : memref<128x64xf32, #tpu.memory_space<vmem>>)
      %parallel_loop3A_121 = arith.constant 0 : i32
      %parallel_loop3A_122 = arith.constant 128 : i32
      %parallel_loop3A_123 = arith.constant 1 : i32
      scf.for %parallel_loop3A_161 = %parallel_loop3A_121 to %parallel_loop3A_122 step %parallel_loop3A_123  : i32 {
        %parallel_loop3A_162 = arith.index_cast %parallel_loop3A_161 : i32 to index
        %parallel_loop3A_163 = arith.constant 0 : index
        %parallel_loop3A_164 = tpu.vector_load %arg10[%parallel_loop3A_162, %parallel_loop3A_163] {strides = array<i32>} : memref<128x64xf32, #tpu.memory_space<vmem>>, vector<1x16xf32>,
        %parallel_loop3A_165 = vector.shape_cast %parallel_loop3A_164 : vector<1x16xf32> to vector<16xf32>
        %parallel_loop3A_166 = arith.constant 8.000000e+00 : f32
        %parallel_loop3A_167 = vector.broadcast %parallel_loop3A_166 : f32 to vector<16xf32>
        %parallel_loop3A_168 = arith.mulf %parallel_loop3A_165, %parallel_loop3A_167 : vector<16xf32>
        %parallel_loop3A_169 = arith.constant 256 : i32
        %parallel_loop3A_170 = arith.addi %parallel_loop3A_169, %parallel_loop3A_161 : i32
        %parallel_loop3A_171 = arith.index_cast %parallel_loop3A_170 : i32 to index
        %parallel_loop3A_172 = arith.constant 0 : index
        %parallel_loop3A_173 = tpu.vector_load %arg7[%parallel_loop3A_171, %parallel_loop3A_172] {strides = array<i32>} : memref<512x64xf32, #tpu.memory_space<vmem>>, vector<1x16xf32>,
        %parallel_loop3A_174 = vector.shape_cast %parallel_loop3A_173 : vector<1x16xf32> to vector<16xf32>
        %parallel_loop3A_175 = arith.addf %parallel_loop3A_168, %parallel_loop3A_174 : vector<16xf32>
        %parallel_loop3A_176 = arith.index_cast %parallel_loop3A_161 : i32 to index
        %parallel_loop3A_177 = arith.constant 0 : index
        %parallel_loop3A_178 = tpu.vector_load %arg10[%parallel_loop3A_176, %parallel_loop3A_177] {strides = array<i32>} : memref<128x64xf32, #tpu.memory_space<vmem>>, vector<1x16xf32>,
        %parallel_loop3A_179 = vector.shape_cast %parallel_loop3A_178 : vector<1x16xf32> to vector<16xf32>
        %parallel_loop3A_180 = vector.shape_cast %parallel_loop3A_175 : vector<16xf32> to vector<1x16xf32>
        tpu.vector_store %arg10[%parallel_loop3A_176, %parallel_loop3A_177], %parallel_loop3A_180 {strides = array<i32>} : memref<128x64xf32, #tpu.memory_space<vmem>>, vector<1x16xf32>,
        %parallel_loop3A_181 = arith.index_cast %parallel_loop3A_161 : i32 to index
        %parallel_loop3A_182 = arith.constant 16 : index
        %parallel_loop3A_183 = tpu.vector_load %arg10[%parallel_loop3A_181, %parallel_loop3A_182] {strides = array<i32>} : memref<128x64xf32, #tpu.memory_space<vmem>>, vector<1x16xf32>,
        %parallel_loop3A_184 = vector.shape_cast %parallel_loop3A_183 : vector<1x16xf32> to vector<16xf32>
        %parallel_loop3A_185 = arith.constant 8.000000e+00 : f32
        %parallel_loop3A_186 = vector.broadcast %parallel_loop3A_185 : f32 to vector<16xf32>
        %parallel_loop3A_187 = arith.mulf %parallel_loop3A_184, %parallel_loop3A_186 : vector<16xf32>
        %parallel_loop3A_188 = arith.constant 256 : i32
        %parallel_loop3A_189 = arith.addi %parallel_loop3A_188, %parallel_loop3A_161 : i32
        %parallel_loop3A_190 = arith.index_cast %parallel_loop3A_189 : i32 to index
        %parallel_loop3A_191 = arith.constant 16 : index
        %parallel_loop3A_192 = tpu.vector_load %arg7[%parallel_loop3A_190, %parallel_loop3A_191] {strides = array<i32>} : memref<512x64xf32, #tpu.memory_space<vmem>>, vector<1x16xf32>,
        %parallel_loop3A_193 = vector.shape_cast %parallel_loop3A_192 : vector<1x16xf32> to vector<16xf32>
        %parallel_loop3A_194 = arith.addf %parallel_loop3A_187, %parallel_loop3A_193 : vector<16xf32>
        %parallel_loop3A_195 = arith.index_cast %parallel_loop3A_161 : i32 to index
        %parallel_loop3A_196 = arith.constant 16 : index
        %parallel_loop3A_197 = tpu.vector_load %arg10[%parallel_loop3A_195, %parallel_loop3A_196] {strides = array<i32>} : memref<128x64xf32, #tpu.memory_space<vmem>>, vector<1x16xf32>,
        %parallel_loop3A_198 = vector.shape_cast %parallel_loop3A_197 : vector<1x16xf32> to vector<16xf32>
        %parallel_loop3A_199 = vector.shape_cast %parallel_loop3A_194 : vector<16xf32> to vector<1x16xf32>
        tpu.vector_store %arg10[%parallel_loop3A_195, %parallel_loop3A_196], %parallel_loop3A_199 {strides = array<i32>} : memref<128x64xf32, #tpu.memory_space<vmem>>, vector<1x16xf32>,
        %parallel_loop3A_200 = arith.index_cast %parallel_loop3A_161 : i32 to index
        %parallel_loop3A_201 = arith.constant 32 : index
        %parallel_loop3A_202 = tpu.vector_load %arg10[%parallel_loop3A_200, %parallel_loop3A_201] {strides = array<i32>} : memref<128x64xf32, #tpu.memory_space<vmem>>, vector<1x16xf32>,
        %parallel_loop3A_203 = vector.shape_cast %parallel_loop3A_202 : vector<1x16xf32> to vector<16xf32>
        %parallel_loop3A_204 = arith.constant 8.000000e+00 : f32
        %parallel_loop3A_205 = vector.broadcast %parallel_loop3A_204 : f32 to vector<16xf32>
        %parallel_loop3A_206 = arith.mulf %parallel_loop3A_203, %parallel_loop3A_205 : vector<16xf32>
        %parallel_loop3A_207 = arith.constant 256 : i32
        %parallel_loop3A_208 = arith.addi %parallel_loop3A_207, %parallel_loop3A_161 : i32
        %parallel_loop3A_209 = arith.index_cast %parallel_loop3A_208 : i32 to index
        %parallel_loop3A_210 = arith.constant 32 : index
        %parallel_loop3A_211 = tpu.vector_load %arg7[%parallel_loop3A_209, %parallel_loop3A_210] {strides = array<i32>} : memref<512x64xf32, #tpu.memory_space<vmem>>, vector<1x16xf32>,
        %parallel_loop3A_212 = vector.shape_cast %parallel_loop3A_211 : vector<1x16xf32> to vector<16xf32>
        %parallel_loop3A_213 = arith.addf %parallel_loop3A_206, %parallel_loop3A_212 : vector<16xf32>
        %parallel_loop3A_214 = arith.index_cast %parallel_loop3A_161 : i32 to index
        %parallel_loop3A_215 = arith.constant 32 : index
        %parallel_loop3A_216 = tpu.vector_load %arg10[%parallel_loop3A_214, %parallel_loop3A_215] {strides = array<i32>} : memref<128x64xf32, #tpu.memory_space<vmem>>, vector<1x16xf32>,
        %parallel_loop3A_217 = vector.shape_cast %parallel_loop3A_216 : vector<1x16xf32> to vector<16xf32>
        %parallel_loop3A_218 = vector.shape_cast %parallel_loop3A_213 : vector<16xf32> to vector<1x16xf32>
        tpu.vector_store %arg10[%parallel_loop3A_214, %parallel_loop3A_215], %parallel_loop3A_218 {strides = array<i32>} : memref<128x64xf32, #tpu.memory_space<vmem>>, vector<1x16xf32>,
        %parallel_loop3A_219 = arith.index_cast %parallel_loop3A_161 : i32 to index
        %parallel_loop3A_220 = arith.constant 48 : index
        %parallel_loop3A_221 = tpu.vector_load %arg10[%parallel_loop3A_219, %parallel_loop3A_220] {strides = array<i32>} : memref<128x64xf32, #tpu.memory_space<vmem>>, vector<1x16xf32>,
        %parallel_loop3A_222 = vector.shape_cast %parallel_loop3A_221 : vector<1x16xf32> to vector<16xf32>
        %parallel_loop3A_223 = arith.constant 8.000000e+00 : f32
        %parallel_loop3A_224 = vector.broadcast %parallel_loop3A_223 : f32 to vector<16xf32>
        %parallel_loop3A_225 = arith.mulf %parallel_loop3A_222, %parallel_loop3A_224 : vector<16xf32>
        %parallel_loop3A_226 = arith.constant 256 : i32
        %parallel_loop3A_227 = arith.addi %parallel_loop3A_226, %parallel_loop3A_161 : i32
        %parallel_loop3A_228 = arith.index_cast %parallel_loop3A_227 : i32 to index
        %parallel_loop3A_229 = arith.constant 48 : index
        %parallel_loop3A_230 = tpu.vector_load %arg7[%parallel_loop3A_228, %parallel_loop3A_229] {strides = array<i32>} : memref<512x64xf32, #tpu.memory_space<vmem>>, vector<1x16xf32>,
        %parallel_loop3A_231 = vector.shape_cast %parallel_loop3A_230 : vector<1x16xf32> to vector<16xf32>
        %parallel_loop3A_232 = arith.addf %parallel_loop3A_225, %parallel_loop3A_231 : vector<16xf32>
        %parallel_loop3A_233 = arith.index_cast %parallel_loop3A_161 : i32 to index
        %parallel_loop3A_234 = arith.constant 48 : index
        %parallel_loop3A_235 = tpu.vector_load %arg10[%parallel_loop3A_233, %parallel_loop3A_234] {strides = array<i32>} : memref<128x64xf32, #tpu.memory_space<vmem>>, vector<1x16xf32>,
        %parallel_loop3A_236 = vector.shape_cast %parallel_loop3A_235 : vector<1x16xf32> to vector<16xf32>
        %parallel_loop3A_237 = vector.shape_cast %parallel_loop3A_232 : vector<16xf32> to vector<1x16xf32>
        tpu.vector_store %arg10[%parallel_loop3A_233, %parallel_loop3A_234], %parallel_loop3A_237 {strides = array<i32>} : memref<128x64xf32, #tpu.memory_space<vmem>>, vector<1x16xf32>,
      } {sc.loop_unroll_factor = 4 : i64, sc.parallel_access}
      %add3A_124 = arith.addi %mul3A_2, %scan3A_67 : i32
      %dma_start3A_125 = arith.constant 256 : i32
      %dma_start3A_126 = arith.constant 0 : i32
      %dma_start3A_127 = tpu.memref_slice %arg5[%add3A_124, %dma_start3A_125, %dma_start3A_126] : memref<1024x512x64xf32, #tpu.memory_space<hbm>> -> memref<1x128x64xf32, #tpu.memory_space<hbm>>
      %dma_start3A_128 = tpu.memref_squeeze %dma_start3A_127 : memref<1x128x64xf32, #tpu.memory_space<hbm>> -> memref<128x64xf32, #tpu.memory_space<hbm>>
      %dma_start3A_129 = arith.constant 256 : i32
      %dma_start3A_130 = arith.constant 0 : i32
      %dma_start3A_131 = tpu.memref_slice %arg5[%add3A_124, %dma_start3A_129, %dma_start3A_130] : memref<1024x512x64xf32, #tpu.memory_space<hbm>> -> memref<1x128x64xf32, #tpu.memory_space<hbm>>
      %dma_start3A_132 = tpu.memref_squeeze %dma_start3A_131 : memref<1x128x64xf32, #tpu.memory_space<hbm>> -> memref<128x64xf32, #tpu.memory_space<hbm>>
      tpu.enqueue_dma source(%arg10 : memref<128x64xf32, #tpu.memory_space<vmem>>) target(%dma_start3A_132 : memref<128x64xf32, #tpu.memory_space<hbm>>) target_semaphore(%arg18 : memref<!tpu.dma_semaphore, #tpu.memory_space<semaphore_mem>>)
      %lt3A_133 = arith.constant 31 : i32
      %lt3A_134 = arith.cmpi slt, %scan3A_67, %lt3A_133 : i32
      %convert_element_type3A_135 = arith.extui %lt3A_134 : i1 to i32
      %cond3A_136 = arith.constant 0 : i32
      %cond3A_137 = arith.cmpi ne, %convert_element_type3A_135, %cond3A_136 : i32
      scf.if %cond3A_137 {
        %add3A_161 = arith.addi %mul3A_2, %scan3A_67 : i32
        %dma_wait3A_162 = arith.constant 128 : i32
        %dma_wait3A_163 = arith.constant 0 : i32
        %dma_wait3A_164 = tpu.memref_slice %arg5[%add3A_161, %dma_wait3A_162, %dma_wait3A_163] : memref<1024x512x64xf32, #tpu.memory_space<hbm>> -> memref<1x128x64xf32, #tpu.memory_space<hbm>>
        %dma_wait3A_165 = tpu.memref_squeeze %dma_wait3A_164 : memref<1x128x64xf32, #tpu.memory_space<hbm>> -> memref<128x64xf32, #tpu.memory_space<hbm>>
        %dma_wait3A_166 = arith.constant 128 : i32
        %dma_wait3A_167 = arith.constant 0 : i32
        %dma_wait3A_168 = tpu.memref_slice %arg5[%add3A_161, %dma_wait3A_166, %dma_wait3A_167] : memref<1024x512x64xf32, #tpu.memory_space<hbm>> -> memref<1x128x64xf32, #tpu.memory_space<hbm>>
        %dma_wait3A_169 = tpu.memref_squeeze %dma_wait3A_168 : memref<1x128x64xf32, #tpu.memory_space<hbm>> -> memref<128x64xf32, #tpu.memory_space<hbm>>
        tpu.wait_dma2 semaphore(%arg17 : memref<!tpu.dma_semaphore, #tpu.memory_space<semaphore_mem>>) src(%arg9 : memref<128x64xf32, #tpu.memory_space<vmem>>) dst(%dma_wait3A_169 : memref<128x64xf32, #tpu.memory_space<hbm>>)
        %add3A_170 = arith.constant 1 : i32
        %add3A_171 = arith.addi %scan3A_67, %add3A_170 : i32
        %dma_start3A_172 = arith.constant 128 : i32
        %dma_start3A_173 = tpu.memref_slice %arg6[%add3A_171, %dma_start3A_172] : memref<32x512xi32, #tpu.memory_space<vmem>> -> memref<1x128xi32, #tpu.memory_space<vmem>>
        %dma_start3A_174 = tpu.memref_squeeze %dma_start3A_173 : memref<1x128xi32, #tpu.memory_space<vmem>> -> memref<128xi32, #tpu.memory_space<vmem>>
        %dma_start3A_175 = arith.constant 0 : i32
        %dma_start3A_176 = arith.constant 0 : i32
        %dma_start3A_177 = tpu.memref_slice %arg3[%dma_start3A_175, %dma_start3A_176] : memref<1000000x64xf32, #tpu.memory_space<hbm>> -> memref<1000000x64xf32, #tpu.memory_space<hbm>>
        tpu.enqueue_indirect_dma source(%dma_start3A_177 : memref<1000000x64xf32, #tpu.memory_space<hbm>>) target(%arg9 : memref<128x64xf32, #tpu.memory_space<vmem>>) offsets(%dma_start3A_174 : memref<128xi32, #tpu.memory_space<vmem>>) semaphore(%arg13 : memref<!tpu.dma_semaphore, #tpu.memory_space<semaphore_mem>>)
      } else {
      }
      %dma_wait3A_138 = arith.constant 384 : i32
      %dma_wait3A_139 = tpu.memref_slice %arg6[%scan3A_67, %dma_wait3A_138] : memref<32x512xi32, #tpu.memory_space<vmem>> -> memref<1x128xi32, #tpu.memory_space<vmem>>
      %dma_wait3A_140 = tpu.memref_squeeze %dma_wait3A_139 : memref<1x128xi32, #tpu.memory_space<vmem>> -> memref<128xi32, #tpu.memory_space<vmem>>
      %dma_wait3A_141 = arith.constant 0 : i32
      %dma_wait3A_142 = arith.constant 0 : i32
      %dma_wait3A_143 = tpu.memref_slice %arg3[%dma_wait3A_141, %dma_wait3A_142] : memref<1000000x64xf32, #tpu.memory_space<hbm>> -> memref<1000000x64xf32, #tpu.memory_space<hbm>>
      tpu.wait_indirect_dma semaphore(%arg15 : memref<!tpu.dma_semaphore, #tpu.memory_space<semaphore_mem>>) src(%dma_wait3A_143 : memref<1000000x64xf32, #tpu.memory_space<hbm>>) dst(%arg11 : memref<128x64xf32, #tpu.memory_space<vmem>>)
      %parallel_loop3A_144 = arith.constant 0 : i32
      %parallel_loop3A_145 = arith.constant 128 : i32
      %parallel_loop3A_146 = arith.constant 1 : i32
      scf.for %parallel_loop3A_161 = %parallel_loop3A_144 to %parallel_loop3A_145 step %parallel_loop3A_146  : i32 {
        %parallel_loop3A_162 = arith.index_cast %parallel_loop3A_161 : i32 to index
        %parallel_loop3A_163 = arith.constant 0 : index
        %parallel_loop3A_164 = tpu.vector_load %arg11[%parallel_loop3A_162, %parallel_loop3A_163] {strides = array<i32>} : memref<128x64xf32, #tpu.memory_space<vmem>>, vector<1x16xf32>,
        %parallel_loop3A_165 = vector.shape_cast %parallel_loop3A_164 : vector<1x16xf32> to vector<16xf32>
        %parallel_loop3A_166 = arith.constant 8.000000e+00 : f32
        %parallel_loop3A_167 = vector.broadcast %parallel_loop3A_166 : f32 to vector<16xf32>
        %parallel_loop3A_168 = arith.mulf %parallel_loop3A_165, %parallel_loop3A_167 : vector<16xf32>
        %parallel_loop3A_169 = arith.constant 384 : i32
        %parallel_loop3A_170 = arith.addi %parallel_loop3A_169, %parallel_loop3A_161 : i32
        %parallel_loop3A_171 = arith.index_cast %parallel_loop3A_170 : i32 to index
        %parallel_loop3A_172 = arith.constant 0 : index
        %parallel_loop3A_173 = tpu.vector_load %arg7[%parallel_loop3A_171, %parallel_loop3A_172] {strides = array<i32>} : memref<512x64xf32, #tpu.memory_space<vmem>>, vector<1x16xf32>,
        %parallel_loop3A_174 = vector.shape_cast %parallel_loop3A_173 : vector<1x16xf32> to vector<16xf32>
        %parallel_loop3A_175 = arith.addf %parallel_loop3A_168, %parallel_loop3A_174 : vector<16xf32>
        %parallel_loop3A_176 = arith.index_cast %parallel_loop3A_161 : i32 to index
        %parallel_loop3A_177 = arith.constant 0 : index
        %parallel_loop3A_178 = tpu.vector_load %arg11[%parallel_loop3A_176, %parallel_loop3A_177] {strides = array<i32>} : memref<128x64xf32, #tpu.memory_space<vmem>>, vector<1x16xf32>,
        %parallel_loop3A_179 = vector.shape_cast %parallel_loop3A_178 : vector<1x16xf32> to vector<16xf32>
        %parallel_loop3A_180 = vector.shape_cast %parallel_loop3A_175 : vector<16xf32> to vector<1x16xf32>
        tpu.vector_store %arg11[%parallel_loop3A_176, %parallel_loop3A_177], %parallel_loop3A_180 {strides = array<i32>} : memref<128x64xf32, #tpu.memory_space<vmem>>, vector<1x16xf32>,
        %parallel_loop3A_181 = arith.index_cast %parallel_loop3A_161 : i32 to index
        %parallel_loop3A_182 = arith.constant 16 : index
        %parallel_loop3A_183 = tpu.vector_load %arg11[%parallel_loop3A_181, %parallel_loop3A_182] {strides = array<i32>} : memref<128x64xf32, #tpu.memory_space<vmem>>, vector<1x16xf32>,
        %parallel_loop3A_184 = vector.shape_cast %parallel_loop3A_183 : vector<1x16xf32> to vector<16xf32>
        %parallel_loop3A_185 = arith.constant 8.000000e+00 : f32
        %parallel_loop3A_186 = vector.broadcast %parallel_loop3A_185 : f32 to vector<16xf32>
        %parallel_loop3A_187 = arith.mulf %parallel_loop3A_184, %parallel_loop3A_186 : vector<16xf32>
        %parallel_loop3A_188 = arith.constant 384 : i32
        %parallel_loop3A_189 = arith.addi %parallel_loop3A_188, %parallel_loop3A_161 : i32
        %parallel_loop3A_190 = arith.index_cast %parallel_loop3A_189 : i32 to index
        %parallel_loop3A_191 = arith.constant 16 : index
        %parallel_loop3A_192 = tpu.vector_load %arg7[%parallel_loop3A_190, %parallel_loop3A_191] {strides = array<i32>} : memref<512x64xf32, #tpu.memory_space<vmem>>, vector<1x16xf32>,
        %parallel_loop3A_193 = vector.shape_cast %parallel_loop3A_192 : vector<1x16xf32> to vector<16xf32>
        %parallel_loop3A_194 = arith.addf %parallel_loop3A_187, %parallel_loop3A_193 : vector<16xf32>
        %parallel_loop3A_195 = arith.index_cast %parallel_loop3A_161 : i32 to index
        %parallel_loop3A_196 = arith.constant 16 : index
        %parallel_loop3A_197 = tpu.vector_load %arg11[%parallel_loop3A_195, %parallel_loop3A_196] {strides = array<i32>} : memref<128x64xf32, #tpu.memory_space<vmem>>, vector<1x16xf32>,
        %parallel_loop3A_198 = vector.shape_cast %parallel_loop3A_197 : vector<1x16xf32> to vector<16xf32>
        %parallel_loop3A_199 = vector.shape_cast %parallel_loop3A_194 : vector<16xf32> to vector<1x16xf32>
        tpu.vector_store %arg11[%parallel_loop3A_195, %parallel_loop3A_196], %parallel_loop3A_199 {strides = array<i32>} : memref<128x64xf32, #tpu.memory_space<vmem>>, vector<1x16xf32>,
        %parallel_loop3A_200 = arith.index_cast %parallel_loop3A_161 : i32 to index
        %parallel_loop3A_201 = arith.constant 32 : index
        %parallel_loop3A_202 = tpu.vector_load %arg11[%parallel_loop3A_200, %parallel_loop3A_201] {strides = array<i32>} : memref<128x64xf32, #tpu.memory_space<vmem>>, vector<1x16xf32>,
        %parallel_loop3A_203 = vector.shape_cast %parallel_loop3A_202 : vector<1x16xf32> to vector<16xf32>
        %parallel_loop3A_204 = arith.constant 8.000000e+00 : f32
        %parallel_loop3A_205 = vector.broadcast %parallel_loop3A_204 : f32 to vector<16xf32>
        %parallel_loop3A_206 = arith.mulf %parallel_loop3A_203, %parallel_loop3A_205 : vector<16xf32>
        %parallel_loop3A_207 = arith.constant 384 : i32
        %parallel_loop3A_208 = arith.addi %parallel_loop3A_207, %parallel_loop3A_161 : i32
        %parallel_loop3A_209 = arith.index_cast %parallel_loop3A_208 : i32 to index
        %parallel_loop3A_210 = arith.constant 32 : index
        %parallel_loop3A_211 = tpu.vector_load %arg7[%parallel_loop3A_209, %parallel_loop3A_210] {strides = array<i32>} : memref<512x64xf32, #tpu.memory_space<vmem>>, vector<1x16xf32>,
        %parallel_loop3A_212 = vector.shape_cast %parallel_loop3A_211 : vector<1x16xf32> to vector<16xf32>
        %parallel_loop3A_213 = arith.addf %parallel_loop3A_206, %parallel_loop3A_212 : vector<16xf32>
        %parallel_loop3A_214 = arith.index_cast %parallel_loop3A_161 : i32 to index
        %parallel_loop3A_215 = arith.constant 32 : index
        %parallel_loop3A_216 = tpu.vector_load %arg11[%parallel_loop3A_214, %parallel_loop3A_215] {strides = array<i32>} : memref<128x64xf32, #tpu.memory_space<vmem>>, vector<1x16xf32>,
        %parallel_loop3A_217 = vector.shape_cast %parallel_loop3A_216 : vector<1x16xf32> to vector<16xf32>
        %parallel_loop3A_218 = vector.shape_cast %parallel_loop3A_213 : vector<16xf32> to vector<1x16xf32>
        tpu.vector_store %arg11[%parallel_loop3A_214, %parallel_loop3A_215], %parallel_loop3A_218 {strides = array<i32>} : memref<128x64xf32, #tpu.memory_space<vmem>>, vector<1x16xf32>,
        %parallel_loop3A_219 = arith.index_cast %parallel_loop3A_161 : i32 to index
        %parallel_loop3A_220 = arith.constant 48 : index
        %parallel_loop3A_221 = tpu.vector_load %arg11[%parallel_loop3A_219, %parallel_loop3A_220] {strides = array<i32>} : memref<128x64xf32, #tpu.memory_space<vmem>>, vector<1x16xf32>,
        %parallel_loop3A_222 = vector.shape_cast %parallel_loop3A_221 : vector<1x16xf32> to vector<16xf32>
        %parallel_loop3A_223 = arith.constant 8.000000e+00 : f32
        %parallel_loop3A_224 = vector.broadcast %parallel_loop3A_223 : f32 to vector<16xf32>
        %parallel_loop3A_225 = arith.mulf %parallel_loop3A_222, %parallel_loop3A_224 : vector<16xf32>
        %parallel_loop3A_226 = arith.constant 384 : i32
        %parallel_loop3A_227 = arith.addi %parallel_loop3A_226, %parallel_loop3A_161 : i32
        %parallel_loop3A_228 = arith.index_cast %parallel_loop3A_227 : i32 to index
        %parallel_loop3A_229 = arith.constant 48 : index
        %parallel_loop3A_230 = tpu.vector_load %arg7[%parallel_loop3A_228, %parallel_loop3A_229] {strides = array<i32>} : memref<512x64xf32, #tpu.memory_space<vmem>>, vector<1x16xf32>,
        %parallel_loop3A_231 = vector.shape_cast %parallel_loop3A_230 : vector<1x16xf32> to vector<16xf32>
        %parallel_loop3A_232 = arith.addf %parallel_loop3A_225, %parallel_loop3A_231 : vector<16xf32>
        %parallel_loop3A_233 = arith.index_cast %parallel_loop3A_161 : i32 to index
        %parallel_loop3A_234 = arith.constant 48 : index
        %parallel_loop3A_235 = tpu.vector_load %arg11[%parallel_loop3A_233, %parallel_loop3A_234] {strides = array<i32>} : memref<128x64xf32, #tpu.memory_space<vmem>>, vector<1x16xf32>,
        %parallel_loop3A_236 = vector.shape_cast %parallel_loop3A_235 : vector<1x16xf32> to vector<16xf32>
        %parallel_loop3A_237 = vector.shape_cast %parallel_loop3A_232 : vector<16xf32> to vector<1x16xf32>
        tpu.vector_store %arg11[%parallel_loop3A_233, %parallel_loop3A_234], %parallel_loop3A_237 {strides = array<i32>} : memref<128x64xf32, #tpu.memory_space<vmem>>, vector<1x16xf32>,
      } {sc.loop_unroll_factor = 4 : i64, sc.parallel_access}
      %add3A_147 = arith.addi %mul3A_2, %scan3A_67 : i32
      %dma_start3A_148 = arith.constant 384 : i32
      %dma_start3A_149 = arith.constant 0 : i32
      %dma_start3A_150 = tpu.memref_slice %arg5[%add3A_147, %dma_start3A_148, %dma_start3A_149] : memref<1024x512x64xf32, #tpu.memory_space<hbm>> -> memref<1x128x64xf32, #tpu.memory_space<hbm>>
      %dma_start3A_151 = tpu.memref_squeeze %dma_start3A_150 : memref<1x128x64xf32, #tpu.memory_space<hbm>> -> memref<128x64xf32, #tpu.memory_space<hbm>>
      %dma_start3A_152 = arith.constant 384 : i32
      %dma_start3A_153 = arith.constant 0 : i32
      %dma_start3A_154 = tpu.memref_slice %arg5[%add3A_147, %dma_start3A_152, %dma_start3A_153] : memref<1024x512x64xf32, #tpu.memory_space<hbm>> -> memref<1x128x64xf32, #tpu.memory_space<hbm>>
      %dma_start3A_155 = tpu.memref_squeeze %dma_start3A_154 : memref<1x128x64xf32, #tpu.memory_space<hbm>> -> memref<128x64xf32, #tpu.memory_space<hbm>>
      tpu.enqueue_dma source(%arg11 : memref<128x64xf32, #tpu.memory_space<vmem>>) target(%dma_start3A_155 : memref<128x64xf32, #tpu.memory_space<hbm>>) target_semaphore(%arg19 : memref<!tpu.dma_semaphore, #tpu.memory_space<semaphore_mem>>)
      %lt3A_156 = arith.constant 31 : i32
      %lt3A_157 = arith.cmpi slt, %scan3A_67, %lt3A_156 : i32
      %convert_element_type3A_158 = arith.extui %lt3A_157 : i1 to i32
      %cond3A_159 = arith.constant 0 : i32
      %cond3A_160 = arith.cmpi ne, %convert_element_type3A_158, %cond3A_159 : i32
      scf.if %cond3A_160 {
        %add3A_161 = arith.addi %mul3A_2, %scan3A_67 : i32
        %dma_wait3A_162 = arith.constant 256 : i32
        %dma_wait3A_163 = arith.constant 0 : i32
        %dma_wait3A_164 = tpu.memref_slice %arg5[%add3A_161, %dma_wait3A_162, %dma_wait3A_163] : memref<1024x512x64xf32, #tpu.memory_space<hbm>> -> memref<1x128x64xf32, #tpu.memory_space<hbm>>
        %dma_wait3A_165 = tpu.memref_squeeze %dma_wait3A_164 : memref<1x128x64xf32, #tpu.memory_space<hbm>> -> memref<128x64xf32, #tpu.memory_space<hbm>>
        %dma_wait3A_166 = arith.constant 256 : i32
        %dma_wait3A_167 = arith.constant 0 : i32
        %dma_wait3A_168 = tpu.memref_slice %arg5[%add3A_161, %dma_wait3A_166, %dma_wait3A_167] : memref<1024x512x64xf32, #tpu.memory_space<hbm>> -> memref<1x128x64xf32, #tpu.memory_space<hbm>>
        %dma_wait3A_169 = tpu.memref_squeeze %dma_wait3A_168 : memref<1x128x64xf32, #tpu.memory_space<hbm>> -> memref<128x64xf32, #tpu.memory_space<hbm>>
        tpu.wait_dma2 semaphore(%arg18 : memref<!tpu.dma_semaphore, #tpu.memory_space<semaphore_mem>>) src(%arg10 : memref<128x64xf32, #tpu.memory_space<vmem>>) dst(%dma_wait3A_169 : memref<128x64xf32, #tpu.memory_space<hbm>>)
        %add3A_170 = arith.constant 1 : i32
        %add3A_171 = arith.addi %scan3A_67, %add3A_170 : i32
        %dma_start3A_172 = arith.constant 256 : i32
        %dma_start3A_173 = tpu.memref_slice %arg6[%add3A_171, %dma_start3A_172] : memref<32x512xi32, #tpu.memory_space<vmem>> -> memref<1x128xi32, #tpu.memory_space<vmem>>
        %dma_start3A_174 = tpu.memref_squeeze %dma_start3A_173 : memref<1x128xi32, #tpu.memory_space<vmem>> -> memref<128xi32, #tpu.memory_space<vmem>>
        %dma_start3A_175 = arith.constant 0 : i32
        %dma_start3A_176 = arith.constant 0 : i32
        %dma_start3A_177 = tpu.memref_slice %arg3[%dma_start3A_175, %dma_start3A_176] : memref<1000000x64xf32, #tpu.memory_space<hbm>> -> memref<1000000x64xf32, #tpu.memory_space<hbm>>
        tpu.enqueue_indirect_dma source(%dma_start3A_177 : memref<1000000x64xf32, #tpu.memory_space<hbm>>) target(%arg10 : memref<128x64xf32, #tpu.memory_space<vmem>>) offsets(%dma_start3A_174 : memref<128xi32, #tpu.memory_space<vmem>>) semaphore(%arg14 : memref<!tpu.dma_semaphore, #tpu.memory_space<semaphore_mem>>)
      } else {
      }
    }
    %scan3A_27 = arith.constant 32 : i32
    %add3A_28 = arith.constant 31 : i32
    %add3A_29 = arith.addi %mul3A_2, %add3A_28 : i32
    %dma_wait3A = arith.constant 0 : i32
    %dma_wait3A_30 = arith.constant 0 : i32
    %dma_wait3A_31 = tpu.memref_slice %arg5[%add3A_29, %dma_wait3A, %dma_wait3A_30] : memref<1024x512x64xf32, #tpu.memory_space<hbm>> -> memref<1x128x64xf32, #tpu.memory_space<hbm>>
    %dma_wait3A_32 = tpu.memref_squeeze %dma_wait3A_31 : memref<1x128x64xf32, #tpu.memory_space<hbm>> -> memref<128x64xf32, #tpu.memory_space<hbm>>
    %dma_wait3A_33 = arith.constant 0 : i32
    %dma_wait3A_34 = arith.constant 0 : i32
    %dma_wait3A_35 = tpu.memref_slice %arg5[%add3A_29, %dma_wait3A_33, %dma_wait3A_34] : memref<1024x512x64xf32, #tpu.memory_space<hbm>> -> memref<1x128x64xf32, #tpu.memory_space<hbm>>
    %dma_wait3A_36 = tpu.memref_squeeze %dma_wait3A_35 : memref<1x128x64xf32, #tpu.memory_space<hbm>> -> memref<128x64xf32, #tpu.memory_space<hbm>>
    tpu.wait_dma2 semaphore(%arg16 : memref<!tpu.dma_semaphore, #tpu.memory_space<semaphore_mem>>) src(%arg8 : memref<128x64xf32, #tpu.memory_space<vmem>>) dst(%dma_wait3A_36 : memref<128x64xf32, #tpu.memory_space<hbm>>)
    %add3A_37 = arith.constant 31 : i32
    %add3A_38 = arith.addi %mul3A_2, %add3A_37 : i32
    %dma_wait3A_39 = arith.constant 128 : i32
    %dma_wait3A_40 = arith.constant 0 : i32
    %dma_wait3A_41 = tpu.memref_slice %arg5[%add3A_38, %dma_wait3A_39, %dma_wait3A_40] : memref<1024x512x64xf32, #tpu.memory_space<hbm>> -> memref<1x128x64xf32, #tpu.memory_space<hbm>>
    %dma_wait3A_42 = tpu.memref_squeeze %dma_wait3A_41 : memref<1x128x64xf32, #tpu.memory_space<hbm>> -> memref<128x64xf32, #tpu.memory_space<hbm>>
    %dma_wait3A_43 = arith.constant 128 : i32
    %dma_wait3A_44 = arith.constant 0 : i32
    %dma_wait3A_45 = tpu.memref_slice %arg5[%add3A_38, %dma_wait3A_43, %dma_wait3A_44] : memref<1024x512x64xf32, #tpu.memory_space<hbm>> -> memref<1x128x64xf32, #tpu.memory_space<hbm>>
    %dma_wait3A_46 = tpu.memref_squeeze %dma_wait3A_45 : memref<1x128x64xf32, #tpu.memory_space<hbm>> -> memref<128x64xf32, #tpu.memory_space<hbm>>
    tpu.wait_dma2 semaphore(%arg17 : memref<!tpu.dma_semaphore, #tpu.memory_space<semaphore_mem>>) src(%arg9 : memref<128x64xf32, #tpu.memory_space<vmem>>) dst(%dma_wait3A_46 : memref<128x64xf32, #tpu.memory_space<hbm>>)
    %add3A_47 = arith.constant 31 : i32
    %add3A_48 = arith.addi %mul3A_2, %add3A_47 : i32
    %dma_wait3A_49 = arith.constant 256 : i32
    %dma_wait3A_50 = arith.constant 0 : i32
    %dma_wait3A_51 = tpu.memref_slice %arg5[%add3A_48, %dma_wait3A_49, %dma_wait3A_50] : memref<1024x512x64xf32, #tpu.memory_space<hbm>> -> memref<1x128x64xf32, #tpu.memory_space<hbm>>
    %dma_wait3A_52 = tpu.memref_squeeze %dma_wait3A_51 : memref<1x128x64xf32, #tpu.memory_space<hbm>> -> memref<128x64xf32, #tpu.memory_space<hbm>>
    %dma_wait3A_53 = arith.constant 256 : i32
    %dma_wait3A_54 = arith.constant 0 : i32
    %dma_wait3A_55 = tpu.memref_slice %arg5[%add3A_48, %dma_wait3A_53, %dma_wait3A_54] : memref<1024x512x64xf32, #tpu.memory_space<hbm>> -> memref<1x128x64xf32, #tpu.memory_space<hbm>>
    %dma_wait3A_56 = tpu.memref_squeeze %dma_wait3A_55 : memref<1x128x64xf32, #tpu.memory_space<hbm>> -> memref<128x64xf32, #tpu.memory_space<hbm>>
    tpu.wait_dma2 semaphore(%arg18 : memref<!tpu.dma_semaphore, #tpu.memory_space<semaphore_mem>>) src(%arg10 : memref<128x64xf32, #tpu.memory_space<vmem>>) dst(%dma_wait3A_56 : memref<128x64xf32, #tpu.memory_space<hbm>>)
    %add3A_57 = arith.constant 31 : i32
    %add3A_58 = arith.addi %mul3A_2, %add3A_57 : i32
    %dma_wait3A_59 = arith.constant 384 : i32
    %dma_wait3A_60 = arith.constant 0 : i32
    %dma_wait3A_61 = tpu.memref_slice %arg5[%add3A_58, %dma_wait3A_59, %dma_wait3A_60] : memref<1024x512x64xf32, #tpu.memory_space<hbm>> -> memref<1x128x64xf32, #tpu.memory_space<hbm>>
    %dma_wait3A_62 = tpu.memref_squeeze %dma_wait3A_61 : memref<1x128x64xf32, #tpu.memory_space<hbm>> -> memref<128x64xf32, #tpu.memory_space<hbm>>
    %dma_wait3A_63 = arith.constant 384 : i32
    %dma_wait3A_64 = arith.constant 0 : i32
    %dma_wait3A_65 = tpu.memref_slice %arg5[%add3A_58, %dma_wait3A_63, %dma_wait3A_64] : memref<1024x512x64xf32, #tpu.memory_space<hbm>> -> memref<1x128x64xf32, #tpu.memory_space<hbm>>
    %dma_wait3A_66 = tpu.memref_squeeze %dma_wait3A_65 : memref<1x128x64xf32, #tpu.memory_space<hbm>> -> memref<128x64xf32, #tpu.memory_space<hbm>>
    tpu.wait_dma2 semaphore(%arg19 : memref<!tpu.dma_semaphore, #tpu.memory_space<semaphore_mem>>) src(%arg11 : memref<128x64xf32, #tpu.memory_space<vmem>>) dst(%dma_wait3A_66 : memref<128x64xf32, #tpu.memory_space<hbm>>)
    return
  }
}

</mosaic_0001>

<sc_bundles>
// kernel: kernel.3.cloned.1.call-start
scs
__scs_entry_jumppad:
0x0: {  	(pc) =	sbr.rel $0x88, $3  }
0x1: {  	(tag) =	ssettag $0x0;
	lr =	simm.s32 $0x1  }
0x2: {  	[smem:$0x3F9E] =	sst lr;
	_ =	strace $0xD0000000  }
0x3: {  	_ = 	snop  }
0x4: {  	_ = 	snop  }
0x5: {  	_ = 	snop  }
0x6: {  	_ = 	snop  }
0x7: {  	_ = 	snop  }
__scs_overlays_trampoline_lowered:
0x8: {  	[smem:$0x3FAD] =	sst s0  }
0x9: {  	[smem:$0x3FAE] =	sst s1  }
0xa: {  	[smem:$0x3FAF] =	sst s2  }
0xb: {  	[smem:$0x3FB0] =	sst s3  }
0xc: {  	[smem:$0x3FB1] =	sst s4  }
0xd: {  	[smem:$0x3FB2] =	sst s5  }
0xe: {  	[smem:$0x3FB3] =	sst s6  }
0xf: {  	[smem:$0x3FB4] =	sst s7  }
0x10: {  	[smem:$0x3FB5] =	sst s8  }
0x11: {  	[smem:$0x3FB6] =	sst s9;
	s0 =	simm.s32 @!p0 $0x0  }
0x12: {  	s1 =	sld [smem:$0x3F9C];
	s0 =	simm.s32 @p0 $0x1  }
0x13: {  	[smem:$0x3FB7] =	sst s0;
	s0 =	simm.s32 @!p1 $0x0  }
0x14: {  	s2 =	sld [smem:$0x3F9B];
	s0 =	simm.s32 @p1 $0x1  }
0x15: {  	[smem:$0x3FB8] =	sst s0;
	s0 =	simm.s32 @!p2 $0x0  }
0x16: {  	s3 =	sld [smem:$0x3FDB];
	s0 =	simm.s32 @p2 $0x1  }
0x17: {  	s4 =	simm.s32 $0x1BF5;
	[smem:$0x3FBA] =	sst s0  }
0x18: {  	s0 =	sld [smem:$0x3F9D];
	_ =	swait.ge [sflag:s4], $0x0  }
0x19: {  	s7 =	sld [smem:$0x3F9E]  }
0x1a: {  	s8 =	sadd.s32 $0xFFFFE003, lr  }
0x1b: {  	s9 =	sadd.s32 $0xFFFFFEF7, lr;
	s5 =	simm.s32 $0xFFFFFFFF;
	p2 =	slt.u32 s8, $0xFFFFF086  }
0x1c: {  	p1 =	slt.u32 s9, $0xF7A;
	s5 =	simm.s32 @!p2 $0x0  }
0x1d: {  	s5 =	simm.s32 @p1 $0x1;
	p0 =	seq.s32 s7, s2  }
0x1e: {  	s7 =	smul.u32 @!p0 $0xF7A, s2;
	p2 =	seq.s32 @!p0 s5, $0x0  }
0x1f: {  	s9 =	smul.u32 $0xF7A, s1;
	s8 =	simm.s32 @!p0 $0x1BF5;
	p2 =	por !p2, p0  }
0x20: {  	[sflag:s8] =	ssyncset.s32 @!p0 $0xFFFFF086;
	s6 =	sadd.s32 @!p0 s3, s7;
	s7 =	simm.s32 @!p0 $0x108  }
0x21: {  	s3 =	sadd.s32 s3, s9;
	s6 =	sadd.s32 @!p0 $0x88, s6;
	s7 =	simm.s32 @p2 $0x1082  }
0x22: {  	[simem:s7], [sflag:s8] =	dma.local @!p0 [hbm:s6], $0xF7A  }
0x23: {  	s9 =	sor.u32 $0xD0000000, s2;
	s6 =	simm.s32 $0x108;
	_ =	swait.ge @!p0 [sflag:s8], $0x0  }
0x24: {  	s3 =	sadd.s32 $0x88, s3;
	s6 =	simm.s32 @!p1 $0x1082;
	[sflag:s4] =	ssyncset.s32 $0xFFFFF086  }
0x25: {  	[simem:s6], [sflag:s4] =	dma.local [hbm:s3], $0xF7A  }
0x26: {  	[smem:$0x3F9E] =	sst s1;
	(tag) =	ssettag s2;
	_ =	strace s9  }
0x27: {  	s1 =	sld [smem:$0x3FAE]  }
0x28: {  	s2 =	sld [smem:$0x3FAF]  }
0x29: {  	s4 =	sld [smem:$0x3FB1]  }
0x2a: {  	p0 =	seq.s32 s5, $0x0;
	s5 =	sld [smem:$0x3FB2]  }
0x2b: {  	s6 =	sld [smem:$0x3FB3]  }
0x2c: {  	s7 =	sld [smem:$0x3FB4]  }
0x2d: {  	s3 =	simm.s32 $0x108;
	s8 =	sld [smem:$0x3FB5]  }
0x2e: {  	s3 =	simm.s32 @!p0 $0x1082;
	s9 =	sld [smem:$0x3FB6]  }
0x2f: {  	lr =	sadd.s32 s0, s3;
	s0 =	sld [smem:$0x3FAD]  }
0x30: {  	s3 =	sld [smem:$0x3FB0]  }
0x31: {  	[smem:$0x3FB9] =	sst s10  }
0x32: {  	s10 =	sld [smem:$0x3FB7];
	_ =	sdelay $0x3  }
0x33: {  	p0 =	seq.s32 s10, $0x1;
	s10 =	sld [smem:$0x3FB9];
	_ =	sdelay $0x3  }
0x34: {  	[smem:$0x3FB9] =	sst s10  }
0x35: {  	s10 =	sld [smem:$0x3FB8];
	_ =	sdelay $0x3  }
0x36: {  	p1 =	seq.s32 s10, $0x1;
	s10 =	sld [smem:$0x3FB9];
	_ =	sdelay $0x3  }
0x37: {  	[smem:$0x3FB9] =	sst s10  }
0x38: {  	s10 =	sld [smem:$0x3FBA]  }
0x39: {  	_ = 	snop;
	(pc) =	sbr.ind lr, $3  }
0x3a: {  	_ = 	snop  }
0x3b: {  	_ = 	snop  }
0x3c: {  	p2 =	seq.s32 s10, $0x1;
	s10 =	sld [smem:$0x3FB9]  }
0x3d: {  	_ =	shalt  }
0x3e: {  	_ =	shalt  }
0x3f: {  	_ =	shalt  }
0x40: {  	_ =	shalt  }
0x41: {  	_ =	shalt  }
0x42: {  	_ =	shalt  }
0x43: {  	_ =	shalt  }
0x44: {  	_ =	shalt  }
0x45: {  	_ =	shalt  }
0x46: {  	_ =	shalt  }
0x47: {  	_ =	shalt  }
0x48: {  	_ =	shalt  }
0x49: {  	_ =	shalt  }
0x4a: {  	_ =	shalt  }
0x4b: {  	_ =	shalt  }
0x4c: {  	_ =	shalt  }
0x4d: {  	_ =	shalt  }
0x4e: {  	_ =	shalt  }
0x4f: {  	_ =	shalt  }
0x50: {  	_ =	shalt  }
0x51: {  	_ =	shalt  }
0x52: {  	_ =	shalt  }
0x53: {  	_ =	shalt  }
0x54: {  	_ =	shalt  }
0x55: {  	_ =	shalt  }
0x56: {  	_ =	shalt  }
0x57: {  	_ =	shalt  }
0x58: {  	_ =	shalt  }
0x59: {  	_ =	shalt  }
0x5a: {  	_ =	shalt  }
0x5b: {  	_ =	shalt  }
0x5c: {  	_ =	shalt  }
0x5d: {  	_ =	shalt  }
0x5e: {  	_ =	shalt  }
0x5f: {  	_ =	shalt  }
0x60: {  	_ =	shalt  }
0x61: {  	_ =	shalt  }
0x62: {  	_ =	shalt  }
0x63: {  	_ =	shalt  }
0x64: {  	_ =	shalt  }
0x65: {  	_ =	shalt  }
0x66: {  	_ =	shalt  }
0x67: {  	_ =	shalt  }
0x68: {  	_ =	shalt  }
0x69: {  	_ =	shalt  }
0x6a: {  	_ =	shalt  }
0x6b: {  	_ =	shalt  }
0x6c: {  	_ =	shalt  }
0x6d: {  	_ =	shalt  }
0x6e: {  	_ =	shalt  }
0x6f: {  	_ =	shalt  }
0x70: {  	_ =	shalt  }
0x71: {  	_ =	shalt  }
0x72: {  	_ =	shalt  }
0x73: {  	_ =	shalt  }
0x74: {  	_ =	shalt  }
0x75: {  	_ =	shalt  }
0x76: {  	_ =	shalt  }
0x77: {  	_ =	shalt  }
0x78: {  	_ =	shalt  }
0x79: {  	_ =	shalt  }
0x7a: {  	_ =	shalt  }
0x7b: {  	_ =	shalt  }
0x7c: {  	_ =	shalt  }
0x7d: {  	_ =	shalt  }
0x7e: {  	_ =	shalt  }
0x7f: {  	_ =	shalt  }
0x80: {  	_ =	shalt  }
0x81: {  	_ =	shalt  }
0x82: {  	_ =	shalt  }
0x83: {  	_ =	shalt  }
0x84: {  	_ =	shalt  }
0x85: {  	_ =	shalt  }
0x86: {  	_ =	shalt  }
0x87: {  	_ =	shalt  }
.Lfunc_end0:
.L_simem_size_0:
called_computation.1_lowered:
.L_overlay_start_0:
0x88: {  	s2 =	sld [smem:$0x3FD9]  }
0x89: {  	s3 =	sld [smem:$0x3FFE];
	_ =	sdelay $0x1  }
0x8a: {  	s1 =	srdreg.scid  }
0x8b: {  	s0 =	sand.u32 $0x1, s1  }
0x8c: {  	s17 =	sshll.u32 s0, $0xA;
	s2 =	sadd.s32 s3, s2  }
0x8d: {  	s2 =	sadd.s32 s2, s17  }
0x8e: {  	[smem:$0x3FC5] =	sst s2  }
0x8f: {  	_ = 	snop  }
0x90: {  	s2 =	sld [smem:$0x3FD0];
	(tm) =	ssettm $0x1  }
0x91: {  	s18 =	sld [smem:$0x3FFB];
	_ =	sdelay $0x3  }
0x92: {  	_ =	strace s18  }
0x93: {  	s3 =	sld [smem:$0x3FFC];
	_ =	sdelay $0x3  }
0x94: {  	_ =	strace s3  }
0x95: {  	s3 =	sld [smem:$0x3FFD];
	_ =	sdelay $0x3  }
0x96: {  	_ =	strace s3  }
0x97: {  	_ =	strace $0x8FFFFFFF  }
0x98: {  	s19 =	sld [smem:$0x3FDB];
	_ =	sdelay $0x1  }
0x99: {  	s4 =	simm.s32 $_scs_section_size  }
0x9a: {  	s5 =	simm.s32 $_size__tile_overlayer_lowered;
	s6 =	simm.s32 $_tile_overlayer_lowered  }
0x9b: {  	s22 =	simm.s32 $0x1BFF;
	s21 =	sshll.u32 s6, $0x1;
	s3 =	sadd.s32 s4, s19  }
0x9c: {  	s7 =	simm.s32 $0x0;
	s20 =	sshll.u32 s5, $0x1;
	s5 =	sadd.s32 s21, s3  }
0x9d: {  	[timem:s7], [sflag:s22] =	dma.local [hbm:s5], s20  }
0x9e: {  	_ =	swait.ge [sflag:s22], s20  }
0x9f: {  	s4 =	ssub.s32 $0x0, s20;
	[sflag:s22] =	ssyncset.done $0x0  }
0xa0: {  	[sflag:s22] =	ssyncadd.s32 s4;
	_ =	sdelay $0x1  }
0xa1: {  	s23 =	simm.s32 $0x1B8B  }
0xa2: {  	_ =	swait.ge [sflag:s23], $0x1  }
0xa3: {  	[sflag:s23] =	ssyncset.done $0x0  }
0xa4: {  	s25 =	simm.s32 $0x1B8E;
	s24 =	sld [smem:$0x3FFE];
	[sflag:s23] =	ssyncadd.s32 $0xFFFFFFFF  }
0xa5: {  	s26 =	simm.s32 $execute0_lowered;
	[smem:$0x3FD2] =	sst s25  }
0xa6: {  	s5 =	sshll.u32 s26, $0x1;
	_ =	strace $0x80000046;
	[dreg:$0x1] =	wrdreg $0xFFFFFFFF  }
0xa7: {  	s28 =	simm.s32 $_size_execute0_lowered;
	s3 =	sadd.s32 s3, s5;
	[dreg:$0x0] =	wrdreg $0x0  }
0xa8: {  	s5 =	sshll.u32 s28, $0x1;
	[dreg:$0x2] =	wrdreg s3  }
0xa9: {  	[dreg:$0x3] =	wrdreg s5  }
0xaa: {  	[dreg:$0x4] =	wrdreg $0xC0  }
0xab: {  	_ =	task [dreg:s7], $0x5FFFF  }
0xac: {  	[dreg:$0x1] =	wrdreg $0xFFFFFFFF  }
0xad: {  	[dreg:$0x0] =	wrdreg $0x60  }
0xae: {  	[dreg:$0x2] =	wrdreg s24  }
0xaf: {  	[dreg:$0x3] =	wrdreg s2  }
0xb0: {  	[dreg:$0x4] =	wrdreg $0x9  }
0xb1: {  	_ =	task.clear_ibuf [dreg:s7], $0x5FFFF;
	_ =	strace $0x90000046  }
0xb2: {  	s29 =	simm.s32 $0x9;
	_ =	strace $0x80000048  }
0xb3: {  	_ =	swait.ge [sflag:s29], $0x1  }
0xb4: {  	[sflag:s29] =	ssyncadd.s32 $0xFFFFFFFF  }
0xb5: {  	_ =	strace $0x90000048  }
0xb6: {  	_ =	sfence  }
0xb7: {  	s30 =	sld [smem:$0x0];
	_ =	sdelay $0x2  }
0xb8: {  	s31 =	sshll.u32 s1, $0xD;
	s1 =	sshrl.u32 s1, $0x2  }
0xb9: {  	s3 =	sand.u32 $0x4000, s31;
	s1 =	sadd.s32 s1, s30  }
0xba: {  	s0 =	sor.u32 s3, s0;
	s1 =	sshll.u32 s1, $0x11  }
0xbb: {  	s0 =	sor.u32 s1, s0  }
0xbc: {  	s0 =	sadd.s32 $0x8F2B, s0  }
0xbd: {  	[sflag:s0] =	ssyncadd.remote.s32 $0x1  }
0xbe: {  	_ =	sfence.sel $0xFFFF  }
0xbf: {  	[dreg:$0x0] =	wrdreg $0xFFFFFFFF;
	(pc) =	sbr.abs _section_cstart, $3  }
0xc0: {  	[dreg:$0x1] =	wrdreg $0xFFFFFFFF  }
0xc1: {  	_ =	task.clear_ibuf [dreg:s7], $0x2FFFF;
	_ =	strace $0x9FFFFFFF  }
0xc2: {  	(tm) =	ssettm $0x7FFFFFFF  }
0xc3: {  	_ =	shalt  }
tec
execute0_lowered:
.L_overlay_start_1:
0x0: {  	(tag) =	ssettag $0x1  }
0x1: {  	s0 =	rddreg [dreg:$0x0]  }
0x2: {  	s2 =	rddreg [dreg:$0x1];
	s1 =	srdreg.scid  }
0x3: {  	s4 =	stileid.u32;
	s3 =	simm.s32 $0x0;
	s12 =	simm.s32 $0x9  }
0x4: {  	s14 =	simm.s32 $0x80;
	s15 =	simm.s32 $0xC000;
	s16 =	simm.s32 $0xE000  }
0x5: {  	s18 =	simm.s32 $0x10000;
	s19 =	simm.s32 $0x1;
	s20 =	simm.s32 $0x12000  }
0x6: {  	s21 =	simm.s32 $0x2;
	s22 =	simm.s32 $0x3;
	s23 =	simm.s32 $0x4  }
0x7: {  	s24 =	simm.s32 $0x5;
	s25 =	simm.s32 $0x6;
	s26 =	simm.s32 $0x7  }
0x8: {  	s28 =	simm.s32 $0x8;
	s29 =	simm.s32 $0x0;
	s1 =	sand.u32 $0x1, s1  }
0x9: {  	s4 =	sshll.u32 s4, $0x6;
	[smem:$0x7FF] =	sst s3;
	s5 =	sshll.u32 s1, $0x5  }
0xa: {  	_ =	strace $0x80000047;
	s1 =	ssub.s32 $0x2, s1;
	s4 =	sor.u32 s5, s4  }
.Ltmp0:
0xb: {  	s7 =	sshrl.u32 s1, $0x1;
	s5 =	sshll.u32 s4, $0x6;
	(pc) =	sbr.rel .LBB2_1-.Ltmp0, $4  }
0xc: {  	s6 =	sadd.s32 s5, s0;
	s5 =	sadd.s32 $0xF43000, s0;
	s0 =	sadd.s32 $0x10C00, s0  }
0xd: {  	s30 =	ssub.s32 s1, s7;
	[dreg:$0x3] =	wrdreg s0;
	s31 =	sadd.s32 $0xC00, s6  }
0xe: {  	s8 =	sadd.s32 $0x400, s2;
	s0 =	smax.u32 s30, $0x1;
	[dreg:$0x4] =	wrdreg s31  }
0xf: {  	s9 =	sadd.s32 $0x800, s2;
	s10 =	sadd.s32 $0xC00, s2;
	[dreg:$0x5] =	wrdreg s0  }
.LBB2_12:
0x10: {  	_ =	swait.ge [sflag:s24], $0x2000  }
0x11: {  	[sflag:s24] =	ssyncset.done $0x0  }
0x12: {  	[sflag:s24] =	ssyncadd.s32 $0xFFFFE000  }
0x13: {  	_ =	swait.ge [sflag:s25], $0x2000  }
0x14: {  	[sflag:s25] =	ssyncset.done $0x0  }
0x15: {  	[sflag:s25] =	ssyncadd.s32 $0xFFFFE000  }
0x16: {  	_ =	swait.ge [sflag:s26], $0x2000  }
0x17: {  	[sflag:s26] =	ssyncset.done $0x0  }
0x18: {  	[sflag:s26] =	ssyncadd.s32 $0xFFFFE000  }
0x19: {  	_ =	swait.ge [sflag:s28], $0x2000  }
0x1a: {  	s29 =	sadd.s32 $0x1, s29;
	s0 =	rddreg [dreg:$0x5]  }
0x1b: {  	p0 =	sne.s32 s29, s0  }
.Ltmp1:
0x1c: {  	_ = 	snop;
	(pc) =	sbr.rel @!p0 .LBB2_13-.Ltmp1, $3  }
0x1d: {  	_ =	sdelay $0x1  }
0x1e: {  	[sflag:s28] =	ssyncset.done $0x0  }
0x1f: {  	[sflag:s28] =	ssyncadd.s32 $0xFFFFE000  }
.LBB2_1:
0x20: {  	s0 =	rddreg [dreg:$0x4]  }
0x21: {  	[tilespmem:s3], [sflag:$0x9] =	stream.linear.gather [hbm4b:s0+s3], $0x4000, $0x38;
	[tilespmem:$0x14000] =	vst v63  }
0x22: {  	_ =	swait.ge [sflag:s12], $0x4000  }
0x23: {  	[sflag:s12] =	ssyncset.done $0x0  }
0x24: {  	s1 =	simm.s32 $0x4000;
	s17 =	rddreg [dreg:$0x3];
	[sflag:s12] =	ssyncadd.s32 $0xFFFFC000  }
0x25: {  	[tilespmem:s1], [sflag:$0x9] =	stream.linear.gather [hbm4b:s17+s3], $0x8000, $0x38;
	[tilespmem:$0x14000] =	vst v63  }
0x26: {  	_ =	swait.ge [sflag:s12], $0x8000  }
0x27: {  	[sflag:s12] =	ssyncset.done $0x0  }
0x28: {  	[sflag:s12] =	ssyncadd.s32 $0xFFFF8000  }
0x29: {  	[tilespmem:s15], [sflag:$0x1] =	stream.indirect.gather [hbm4b:s5+s14], $0x40, s3, s14, $0xb8;
	[tilespmem:$0x14000] =	vst v63  }
0x2a: {  	_ = 	snop  }
0x2b: {  	[tilespmem:s16], [sflag:$0x2] =	stream.indirect.gather [hbm4b:s5+s14], $0x40, s14, s14, $0xb8;
	[tilespmem:$0x14000] =	vst v63  }
0x2c: {  	s31 =	simm.s32 $0x100;
	s30 =	simm.s32 $0x0  }
0x2d: {  	[tilespmem:s18], [sflag:$0x3] =	stream.indirect.gather [hbm4b:s5+s14], $0x40, s31, s14, $0xb8;
	[tilespmem:$0x14000] =	vst v63  }
.LBB2_2:
0x2e: {  	_ =	swait.ge [sflag:s19], $0x2000  }
0x2f: {  	[sflag:s19] =	ssyncset.done $0x0  }
0x30: {  	s0 =	simm.s32 $0xC080;
	[sflag:s19] =	ssyncadd.s32 $0xFFFFE000  }
0x31: {  	v0 =	vld [tilespmem:s0+$0x40]  }
0x32: {  	s17 =	simm.s32 $0x4080;
	v1 =	vld [tilespmem:s0+$0xFFFFFFC0]  }
0x33: {  	v2 =	vld [tilespmem:s17+$0x40]  }
0x34: {  	v3 =	vld [tilespmem:s0+$0xFFFFFF80]  }
0x35: {  	v4 =	vld [tilespmem:s0+$0x0]  }
0x36: {  	v5 =	vld [tilespmem:s17+$0xFFFFFF80]  }
0x37: {  	v6 =	vld [tilespmem:s17+$0xFFFFFFC0]  }
0x38: {  	v7 =	vld [tilespmem:s17+$0x0]  }
0x39: {  	s1 =	simm.s32 $0xC180;
	v8 =	vld [tilespmem:s0+$0xFFFFFF90]  }
0x3a: {  	s13 =	simm.s32 $0x4180;
	v10 =	vld [tilespmem:s1+$0xFFFFFFC0];
	v0 =	vmul.f32 $8.000000000e+00, v0  }
0x3b: {  	v11 =	vld [tilespmem:s13+$0x40]  }
0x3c: {  	v12 =	vld [tilespmem:s1+$0xFFFFFF80];
	v3 =	vmul.f32 $8.000000000e+00, v3;
	v1 =	vmul.f32 $8.000000000e+00, v1;
	v0 =	vadd.f32 v2, v0  }
0x3d: {  	v2 =	vld [tilespmem:s0+$0x50]  }
0x3e: {  	v3 =	vadd.f32 v5, v3;
	v1 =	vadd.f32 v6, v1;
	v5 =	vld [tilespmem:s0+$0xFFFFFFD0];
	[tilespmem:s0+$0x40] =	vst v0  }
0x3f: {  	v4 =	vmul.f32 $8.000000000e+00, v4;
	v0 =	vld [tilespmem:s17+$0x50]  }
0x40: {  	v6 =	vld [tilespmem:s0+$0x10];
	[tilespmem:s0+$0xFFFFFFC0] =	vst v1  }
0x41: {  	[tilespmem:s0+$0xFFFFFF80] =	vst v3;
	v1 =	vadd.f32 v7, v4;
	v4 =	vld [tilespmem:s17+$0xFFFFFFD0]  }
0x42: {  	v3 =	vld [tilespmem:s17+$0xFFFFFF90];
	v2 =	vmul.f32 $8.000000000e+00, v2  }
0x43: {  	v13 =	vld [tilespmem:s1+$0x0];
	[tilespmem:s0+$0x0] =	vst v1  }
0x44: {  	v5 =	vmul.f32 $8.000000000e+00, v5;
	v0 =	vadd.f32 v0, v2;
	v2 =	vmul.f32 $8.000000000e+00, v8;
	v8 =	vld [tilespmem:s17+$0x10]  }
0x45: {  	v14 =	vld [tilespmem:s13+$0xFFFFFF80]  }
0x46: {  	v15 =	vld [tilespmem:s13+$0xFFFFFFC0];
	v4 =	vadd.f32 v4, v5  }
0x47: {  	v5 =	vmul.f32 $8.000000000e+00, v6;
	v2 =	vadd.f32 v3, v2;
	v3 =	vld [tilespmem:s0+$0xFFFFFFE0]  }
0x48: {  	v16 =	vld [tilespmem:s13+$0x0];
	[tilespmem:s0+$0xFFFFFFD0] =	vst v4  }
0x49: {  	v4 =	vadd.f32 v8, v5;
	v5 =	vld [tilespmem:s17+$0xFFFFFFE0]  }
0x4a: {  	v17 =	vld [tilespmem:s1+$0xFFFFFF90]  }
0x4b: {  	v54 =	vld [tilespmem:s1+$0xFFFFFFD0]  }
0x4c: {  	v55 =	vld [tilespmem:s1+$0x10];
	v3 =	vmul.f32 $8.000000000e+00, v3  }
0x4d: {  	v56 =	vld [tilespmem:s1+$0xFFFFFFA0];
	v12 =	vmul.f32 $8.000000000e+00, v12  }
0x4e: {  	v57 =	vld [tilespmem:s1+$0x60];
	v13 =	vmul.f32 $8.000000000e+00, v13;
	v3 =	vadd.f32 v5, v3  }
0x4f: {  	v60 =	vld [tilespmem:s1+$0xFFFFFFE0];
	v12 =	vadd.f32 v14, v12  }
0x50: {  	v13 =	vadd.f32 v16, v13;
	[tilespmem:s0+$0xFFFFFFE0] =	vst v3;
	v3 =	vld [tilespmem:s1+$0x40]  }
0x51: {  	v7 =	vld [tilespmem:s0+$0xFFFFFFA0];
	[tilespmem:s1+$0xFFFFFF80] =	vst v12  }
0x52: {  	[tilespmem:s1+$0x0] =	vst v13;
	v12 =	vld [tilespmem:s13+$0xFFFFFF90]  }
0x53: {  	v58 =	vld [tilespmem:s13+$0x10]  }
0x54: {  	v1 =	vld [tilespmem:s0+$0x60]  }
0x55: {  	v6 =	vld [tilespmem:s0+$0x20];
	[tilespmem:s0+$0x50] =	vst v0;
	v3 =	vmul.f32 $8.000000000e+00, v3  }
0x56: {  	v0 =	vld [tilespmem:s17+$0x60];
	[tilespmem:s0+$0xFFFFFF90] =	vst v2  }
0x57: {  	v2 =	vld [tilespmem:s17+$0xFFFFFFA0];
	v3 =	vadd.f32 v11, v3  }
0x58: {  	v11 =	vld [tilespmem:s1+$0x50]  }
0x59: {  	v1 =	vmul.f32 $8.000000000e+00, v1;
	v8 =	vld [tilespmem:s0+$0xFFFFFFB0];
	[tilespmem:s1+$0x40] =	vst v3  }
0x5a: {  	v3 =	vmul.f32 $8.000000000e+00, v10;
	v10 =	vld [tilespmem:s13+$0x50]  }
0x5b: {  	[tilespmem:s0+$0x10] =	vst v4;
	v4 =	vld [tilespmem:s0+$0x70];
	v0 =	vadd.f32 v0, v1;
	v1 =	vmul.f32 $8.000000000e+00, v7  }
0x5c: {  	v7 =	vld [tilespmem:s17+$0x20];
	v3 =	vadd.f32 v15, v3  }
0x5d: {  	v1 =	vadd.f32 v2, v1;
	v2 =	vld [tilespmem:s0+$0xFFFFFFF0];
	v11 =	vmul.f32 $8.000000000e+00, v11  }
0x5e: {  	v5 =	vld [tilespmem:s0+$0x30];
	[tilespmem:s1+$0xFFFFFFC0] =	vst v3  }
0x5f: {  	[tilespmem:s0+$0x60] =	vst v0;
	v3 =	vld [tilespmem:s13+$0xFFFFFFD0];
	v10 =	vadd.f32 v10, v11  }
0x60: {  	v0 =	vld [tilespmem:s17+$0x70];
	[tilespmem:s0+$0xFFFFFFA0] =	vst v1  }
0x61: {  	v1 =	vld [tilespmem:s17+$0xFFFFFFB0];
	v11 =	vmul.f32 $8.000000000e+00, v17;
	[tilespmem:s1+$0x50] =	vst v10  }
0x62: {  	v10 =	vmul.f32 $8.000000000e+00, v54;
	v59 =	vld [tilespmem:s13+$0x60]  }
0x63: {  	v9 =	vld [tilespmem:s17+$0xFFFFFFF0];
	v11 =	vadd.f32 v12, v11  }
0x64: {  	v15 =	vmul.f32 $8.000000000e+00, v55;
	v3 =	vadd.f32 v3, v10;
	v10 =	vld [tilespmem:s1+$0x20]  }
0x65: {  	v13 =	vmul.f32 $8.000000000e+00, v57;
	[tilespmem:s1+$0xFFFFFF90] =	vst v11;
	v11 =	vld [tilespmem:s1+$0xFFFFFFB0]  }
0x66: {  	v4 =	vmul.f32 $8.000000000e+00, v4;
	v61 =	vld [tilespmem:s13+$0xFFFFFFA0];
	[tilespmem:s1+$0xFFFFFFD0] =	vst v3;
	v3 =	vmul.f32 $8.000000000e+00, v6;
	v6 =	vadd.f32 v58, v15  }
0x67: {  	v62 =	vld [tilespmem:s13+$0xFFFFFFE0];
	v13 =	vadd.f32 v59, v13  }
0x68: {  	v0 =	vadd.f32 v0, v4;
	v3 =	vadd.f32 v7, v3;
	v7 =	vmul.f32 $8.000000000e+00, v8;
	[tilespmem:s1+$0x10] =	vst v6;
	v6 =	vld [tilespmem:s1+$0x70]  }
0x69: {  	v4 =	vmul.f32 $8.000000000e+00, v56;
	v8 =	vld [tilespmem:s13+$0x20];
	[tilespmem:s1+$0x60] =	vst v13  }
0x6a: {  	[tilespmem:s0+$0x70] =	vst v0;
	v0 =	vmul.f32 $8.000000000e+00, v2;
	v1 =	vadd.f32 v1, v7;
	v7 =	vmul.f32 $8.000000000e+00, v60;
	v63 =	vld [tilespmem:s13+$0x70]  }
0x6b: {  	[tilespmem:s0+$0x20] =	vst v3;
	v4 =	vadd.f32 v61, v4;
	v3 =	vld [tilespmem:s1+$0xFFFFFFF0]  }
0x6c: {  	v2 =	vld [tilespmem:s1+$0x30];
	[tilespmem:s0+$0xFFFFFFB0] =	vst v1;
	v1 =	vadd.f32 v62, v7;
	v7 =	vadd.f32 v9, v0;
	v9 =	vmul.f32 $8.000000000e+00, v10  }
0x6d: {  	[tilespmem:s1+$0xFFFFFFA0] =	vst v4;
	v4 =	vld [tilespmem:s17+$0x30];
	v10 =	vmul.f32 $8.000000000e+00, v6  }
0x6e: {  	v0 =	vmul.f32 $8.000000000e+00, v5;
	v5 =	vld [tilespmem:s13+$0xFFFFFFB0];
	[tilespmem:s1+$0xFFFFFFE0] =	vst v1;
	v8 =	vadd.f32 v8, v9  }
0x6f: {  	s6 =	simm.s32 $0x4;
	s7 =	simm.s32 $0xC280;
	s17 =	simm.s32 $0x4180;
	[tilespmem:s0+$0xFFFFFFF0] =	vst v7;
	v1 =	vmul.f32 $8.000000000e+00, v11;
	v6 =	vld [tilespmem:s13+$0xFFFFFFF0];
	v7 =	vadd.f32 v63, v10  }
.LBB2_3:
0x70: {  	v9 =	vld [tilespmem:s7+$0x40];
	s6 =	sadd.s32 $0x4, s6;
	v3 =	vmul.f32 $8.000000000e+00, v3;
	[tilespmem:s1+$0x20] =	vst v8  }
0x71: {  	s13 =	sadd.s32 $0x100, s13;
	v8 =	vld [tilespmem:s7+$0xFFFFFFC0];
	p0 =	slt.u32 s6, $0x7C;
	v2 =	vmul.f32 $8.000000000e+00, v2;
	[tilespmem:s1+$0x70] =	vst v7  }
0x72: {  	v7 =	vld [tilespmem:s13+$0x40];
	v4 =	vadd.f32 v4, v0  }
0x73: {  	v10 =	vld [tilespmem:s7+$0x0];
	v1 =	vadd.f32 v5, v1;
	v0 =	vmov v2  }
0x74: {  	v2 =	vld [tilespmem:s7+$0xFFFFFF80];
	v3 =	vadd.f32 v6, v3;
	[tilespmem:s0+$0x30] =	vst v4;
	s0 =	smov.u32 s1;
	s1 =	smov.u32 s7  }
0x75: {  	v4 =	vld [tilespmem:s13+$0xFFFFFF80];
	v5 =	vmul.f32 $8.000000000e+00, v9;
	[tilespmem:s0+$0xFFFFFFB0] =	vst v1  }
0x76: {  	v1 =	vmul.f32 $8.000000000e+00, v8;
	v6 =	vld [tilespmem:s13+$0xFFFFFFC0];
	[tilespmem:s0+$0xFFFFFFF0] =	vst v3  }
0x77: {  	v3 =	vld [tilespmem:s13+$0x0];
	v5 =	vadd.f32 v7, v5  }
0x78: {  	v7 =	vmul.f32 $8.000000000e+00, v10;
	v8 =	vld [tilespmem:s7+$0x50]  }
0x79: {  	v2 =	vmul.f32 $8.000000000e+00, v2;
	v9 =	vld [tilespmem:s7+$0xFFFFFF90];
	[tilespmem:s7+$0x40] =	vst v5  }
0x7a: {  	v5 =	vld [tilespmem:s13+$0x50]  }
0x7b: {  	v2 =	vadd.f32 v4, v2;
	v1 =	vadd.f32 v6, v1;
	v4 =	vld [tilespmem:s7+$0xFFFFFFD0]  }
0x7c: {  	v3 =	vadd.f32 v3, v7;
	v6 =	vld [tilespmem:s7+$0x10]  }
0x7d: {  	[tilespmem:s7+$0xFFFFFF80] =	vst v2;
	v2 =	vld [tilespmem:s7+$0xFFFFFFA0];
	v7 =	vmul.f32 $8.000000000e+00, v8  }
0x7e: {  	v8 =	vmul.f32 $8.000000000e+00, v9;
	v9 =	vld [tilespmem:s13+$0xFFFFFF90];
	[tilespmem:s7+$0xFFFFFFC0] =	vst v1  }
0x7f: {  	v1 =	vld [tilespmem:s13+$0xFFFFFFD0];
	[tilespmem:s7+$0x0] =	vst v3;
	v3 =	vadd.f32 v5, v7  }
0x80: {  	v4 =	vmul.f32 $8.000000000e+00, v4;
	v5 =	vld [tilespmem:s7+$0x60]  }
0x81: {  	v6 =	vmul.f32 $8.000000000e+00, v6;
	v7 =	vld [tilespmem:s13+$0x10];
	[tilespmem:s7+$0x50] =	vst v3  }
0x82: {  	v2 =	vmul.f32 $8.000000000e+00, v2;
	v3 =	vld [tilespmem:s13+$0x60]  }
0x83: {  	v8 =	vadd.f32 v9, v8;
	v9 =	vld [tilespmem:s7+$0xFFFFFFE0]  }
0x84: {  	v1 =	vadd.f32 v1, v4;
	v4 =	vld [tilespmem:s7+$0x20]  }
0x85: {  	[tilespmem:s7+$0xFFFFFF90] =	vst v8;
	v8 =	vld [tilespmem:s7+$0xFFFFFFB0];
	v5 =	vmul.f32 $8.000000000e+00, v5  }
0x86: {  	v10 =	vld [tilespmem:s13+$0xFFFFFFA0];
	[tilespmem:s7+$0xFFFFFFD0] =	vst v1;
	v1 =	vadd.f32 v7, v6  }
0x87: {  	v6 =	vld [tilespmem:s13+$0xFFFFFFE0];
	v3 =	vadd.f32 v3, v5  }
0x88: {  	v5 =	vmul.f32 $8.000000000e+00, v9;
	[tilespmem:s7+$0x10] =	vst v1;
	v7 =	vld [tilespmem:s7+$0x70]  }
0x89: {  	v9 =	vmul.f32 $8.000000000e+00, v4;
	v11 =	vld [tilespmem:s13+$0x20];
	[tilespmem:s7+$0x60] =	vst v3  }
0x8a: {  	v1 =	vmul.f32 $8.000000000e+00, v8;
	v12 =	vld [tilespmem:s13+$0x70]  }
.Ltmp2:
0x8b: {  	v4 =	vadd.f32 v10, v2;
	v3 =	vld [tilespmem:s7+$0xFFFFFFF0];
	(pc) =	sbr.rel @p0 .LBB2_3-.Ltmp2, $4  }
0x8c: {  	v6 =	vadd.f32 v6, v5;
	v2 =	vld [tilespmem:s7+$0x30]  }
0x8d: {  	[tilespmem:s7+$0xFFFFFFA0] =	vst v4;
	v7 =	vmul.f32 $8.000000000e+00, v7;
	v4 =	vld [tilespmem:s17+$0x30];
	s17 =	smov.u32 s13  }
0x8e: {  	v5 =	vld [tilespmem:s13+$0xFFFFFFB0];
	[tilespmem:s7+$0xFFFFFFE0] =	vst v6;
	v8 =	vadd.f32 v11, v9  }
0x8f: {  	s7 =	sadd.s32 $0x100, s7;
	v6 =	vld [tilespmem:s13+$0xFFFFFFF0];
	v7 =	vadd.f32 v12, v7  }
0x90: {  	[tilespmem:s1+$0x20] =	vst v8  }
0x91: {  	v8 =	vld [tilespmem:s17+$0x30];
	_ =	sdelay $0x1  }
0x92: {  	v3 =	vmul.f32 $8.000000000e+00, v3;
	v0 =	vadd.f32 v4, v0  }
0x93: {  	v2 =	vmul.f32 $8.000000000e+00, v2;
	[tilespmem:s1+$0x70] =	vst v7;
	v1 =	vadd.f32 v5, v1  }
0x94: {  	v3 =	vadd.f32 v6, v3;
	[tilespmem:s0+$0x30] =	vst v0  }
0x95: {  	s11 =	sor.u32 s4, s30;
	[tilespmem:s1+$0xFFFFFFB0] =	vst v1;
	v0 =	vadd.f32 v8, v2  }
0x96: {  	p0 =	seq.s32 s30, $0x0;
	s31 =	sshll.u32 s11, $0xC;
	[tilespmem:s1+$0xFFFFFFF0] =	vst v3  }
0x97: {  	s0 =	sadd.s32 s2, s31;
	[tilespmem:s1+$0x30] =	vst v0;
	s1 =	simm.s32 @!p0 $0x8  }
0x98: {  	[hbm4b:s0+s3] =	stream.linear.scatter [tilespmem:s15], [sflag:$0x5], $0x2000, $0x38;
	[tilespmem:$0x14000] =	vst v63  }
0x99: {  	s13 =	sshll.u32 s30, $0x9;
	_ =	swait.ge @!p0 [sflag:s1], $0x2000  }
0x9a: {  	s0 =	sand.u32 $0x3FFFFE00, s13;
	[sflag:s1] =	ssyncset.done @!p0 $0x0  }
0x9b: {  	s17 =	sor.u32 $0x180, s0;
	[sflag:s1] =	ssyncadd.s32 @!p0 $0xFFFFE000  }
0x9c: {  	[tilespmem:s20], [sflag:$0x4] =	stream.indirect.gather [hbm4b:s5+s14], $0x40, s17, s14, $0xb8;
	[tilespmem:$0x14000] =	vst v63  }
0x9d: {  	_ =	swait.ge [sflag:s21], $0x2000  }
0x9e: {  	[sflag:s21] =	ssyncset.done $0x0  }
0x9f: {  	s1 =	simm.s32 $0xE080;
	[sflag:s21] =	ssyncadd.s32 $0xFFFFE000  }
0xa0: {  	v0 =	vld [tilespmem:s1+$0x40]  }
0xa1: {  	s6 =	simm.s32 $0x60F0;
	v1 =	vld [tilespmem:s1+$0xFFFFFFC0]  }
0xa2: {  	v2 =	vld [tilespmem:s6+$0xFFFFFFD0]  }
0xa3: {  	v3 =	vld [tilespmem:s1+$0xFFFFFF80]  }
0xa4: {  	v4 =	vld [tilespmem:s1+$0x0]  }
0xa5: {  	v5 =	vld [tilespmem:s6+$0xFFFFFF10]  }
0xa6: {  	v6 =	vld [tilespmem:s6+$0xFFFFFF50]  }
0xa7: {  	v7 =	vld [tilespmem:s6+$0xFFFFFF90]  }
0xa8: {  	s13 =	simm.s32 $0xE180;
	v8 =	vld [tilespmem:s1+$0xFFFFFF90]  }
0xa9: {  	s17 =	simm.s32 $0x61F0;
	v10 =	vld [tilespmem:s13+$0xFFFFFFC0];
	v0 =	vmul.f32 $8.000000000e+00, v0  }
0xaa: {  	v11 =	vld [tilespmem:s17+$0xFFFFFFD0]  }
0xab: {  	v12 =	vld [tilespmem:s13+$0xFFFFFF80];
	v3 =	vmul.f32 $8.000000000e+00, v3;
	v1 =	vmul.f32 $8.000000000e+00, v1;
	v0 =	vadd.f32 v2, v0  }
0xac: {  	v2 =	vld [tilespmem:s1+$0x50]  }
0xad: {  	v3 =	vadd.f32 v5, v3;
	v1 =	vadd.f32 v6, v1;
	v5 =	vld [tilespmem:s1+$0xFFFFFFD0];
	[tilespmem:s1+$0x40] =	vst v0  }
0xae: {  	v4 =	vmul.f32 $8.000000000e+00, v4;
	v0 =	vld [tilespmem:s6+$0xFFFFFFE0]  }
0xaf: {  	v6 =	vld [tilespmem:s1+$0x10];
	[tilespmem:s1+$0xFFFFFFC0] =	vst v1  }
0xb0: {  	[tilespmem:s1+$0xFFFFFF80] =	vst v3;
	v1 =	vadd.f32 v7, v4;
	v4 =	vld [tilespmem:s6+$0xFFFFFF60]  }
0xb1: {  	v3 =	vld [tilespmem:s6+$0xFFFFFF20];
	v2 =	vmul.f32 $8.000000000e+00, v2  }
0xb2: {  	v13 =	vld [tilespmem:s13+$0x0];
	[tilespmem:s1+$0x0] =	vst v1  }
0xb3: {  	v5 =	vmul.f32 $8.000000000e+00, v5;
	v0 =	vadd.f32 v0, v2;
	v2 =	vmul.f32 $8.000000000e+00, v8;
	v8 =	vld [tilespmem:s6+$0xFFFFFFA0]  }
0xb4: {  	v14 =	vld [tilespmem:s17+$0xFFFFFF10]  }
0xb5: {  	v15 =	vld [tilespmem:s17+$0xFFFFFF50];
	v4 =	vadd.f32 v4, v5  }
0xb6: {  	v5 =	vmul.f32 $8.000000000e+00, v6;
	v2 =	vadd.f32 v3, v2;
	v3 =	vld [tilespmem:s1+$0xFFFFFFE0]  }
0xb7: {  	v16 =	vld [tilespmem:s17+$0xFFFFFF90];
	[tilespmem:s1+$0xFFFFFFD0] =	vst v4  }
0xb8: {  	v4 =	vadd.f32 v8, v5;
	v5 =	vld [tilespmem:s6+$0xFFFFFF70]  }
0xb9: {  	v17 =	vld [tilespmem:s13+$0xFFFFFF90]  }
0xba: {  	v54 =	vld [tilespmem:s13+$0xFFFFFFD0]  }
0xbb: {  	v55 =	vld [tilespmem:s13+$0x10];
	v3 =	vmul.f32 $8.000000000e+00, v3  }
0xbc: {  	v56 =	vld [tilespmem:s13+$0xFFFFFFA0];
	v12 =	vmul.f32 $8.000000000e+00, v12  }
0xbd: {  	v57 =	vld [tilespmem:s13+$0x60];
	v13 =	vmul.f32 $8.000000000e+00, v13;
	v3 =	vadd.f32 v5, v3  }
0xbe: {  	v60 =	vld [tilespmem:s13+$0xFFFFFFE0];
	v12 =	vadd.f32 v14, v12  }
0xbf: {  	v13 =	vadd.f32 v16, v13;
	[tilespmem:s1+$0xFFFFFFE0] =	vst v3;
	v3 =	vld [tilespmem:s13+$0x40]  }
0xc0: {  	v7 =	vld [tilespmem:s1+$0xFFFFFFA0];
	[tilespmem:s13+$0xFFFFFF80] =	vst v12  }
0xc1: {  	[tilespmem:s13+$0x0] =	vst v13;
	v12 =	vld [tilespmem:s17+$0xFFFFFF20]  }
0xc2: {  	v58 =	vld [tilespmem:s17+$0xFFFFFFA0]  }
0xc3: {  	v1 =	vld [tilespmem:s1+$0x60]  }
0xc4: {  	v6 =	vld [tilespmem:s1+$0x20];
	[tilespmem:s1+$0x50] =	vst v0;
	v3 =	vmul.f32 $8.000000000e+00, v3  }
0xc5: {  	v0 =	vld [tilespmem:s6+$0xFFFFFFF0];
	[tilespmem:s1+$0xFFFFFF90] =	vst v2  }
0xc6: {  	v2 =	vld [tilespmem:s6+$0xFFFFFF30];
	v3 =	vadd.f32 v11, v3  }
0xc7: {  	v11 =	vld [tilespmem:s13+$0x50]  }
0xc8: {  	v1 =	vmul.f32 $8.000000000e+00, v1;
	v8 =	vld [tilespmem:s1+$0xFFFFFFB0];
	[tilespmem:s13+$0x40] =	vst v3  }
0xc9: {  	v3 =	vmul.f32 $8.000000000e+00, v10;
	v10 =	vld [tilespmem:s17+$0xFFFFFFE0]  }
0xca: {  	[tilespmem:s1+$0x10] =	vst v4;
	v4 =	vld [tilespmem:s1+$0x70];
	v0 =	vadd.f32 v0, v1;
	v1 =	vmul.f32 $8.000000000e+00, v7  }
0xcb: {  	v7 =	vld [tilespmem:s6+$0xFFFFFFB0];
	v3 =	vadd.f32 v15, v3  }
0xcc: {  	v1 =	vadd.f32 v2, v1;
	v2 =	vld [tilespmem:s1+$0xFFFFFFF0];
	v11 =	vmul.f32 $8.000000000e+00, v11  }
0xcd: {  	v5 =	vld [tilespmem:s1+$0x30];
	[tilespmem:s13+$0xFFFFFFC0] =	vst v3  }
0xce: {  	[tilespmem:s1+$0x60] =	vst v0;
	v3 =	vld [tilespmem:s17+$0xFFFFFF60];
	v10 =	vadd.f32 v10, v11  }
0xcf: {  	v0 =	vld [tilespmem:s6+$0x0];
	[tilespmem:s1+$0xFFFFFFA0] =	vst v1  }
0xd0: {  	v1 =	vld [tilespmem:s6+$0xFFFFFF40];
	v11 =	vmul.f32 $8.000000000e+00, v17;
	[tilespmem:s13+$0x50] =	vst v10  }
0xd1: {  	v10 =	vmul.f32 $8.000000000e+00, v54;
	v59 =	vld [tilespmem:s17+$0xFFFFFFF0]  }
0xd2: {  	v9 =	vld [tilespmem:s6+$0xFFFFFF80];
	v11 =	vadd.f32 v12, v11  }
0xd3: {  	v15 =	vmul.f32 $8.000000000e+00, v55;
	v3 =	vadd.f32 v3, v10;
	v10 =	vld [tilespmem:s13+$0x20]  }
0xd4: {  	v13 =	vmul.f32 $8.000000000e+00, v57;
	[tilespmem:s13+$0xFFFFFF90] =	vst v11;
	v11 =	vld [tilespmem:s13+$0xFFFFFFB0]  }
0xd5: {  	v4 =	vmul.f32 $8.000000000e+00, v4;
	v61 =	vld [tilespmem:s17+$0xFFFFFF30];
	[tilespmem:s13+$0xFFFFFFD0] =	vst v3;
	v3 =	vmul.f32 $8.000000000e+00, v6;
	v6 =	vadd.f32 v58, v15  }
0xd6: {  	v62 =	vld [tilespmem:s17+$0xFFFFFF70];
	v13 =	vadd.f32 v59, v13  }
0xd7: {  	v0 =	vadd.f32 v0, v4;
	v3 =	vadd.f32 v7, v3;
	v7 =	vmul.f32 $8.000000000e+00, v8;
	[tilespmem:s13+$0x10] =	vst v6;
	v6 =	vld [tilespmem:s13+$0x70]  }
0xd8: {  	v4 =	vmul.f32 $8.000000000e+00, v56;
	v8 =	vld [tilespmem:s17+$0xFFFFFFB0];
	[tilespmem:s13+$0x60] =	vst v13  }
0xd9: {  	[tilespmem:s1+$0x70] =	vst v0;
	v0 =	vmul.f32 $8.000000000e+00, v2;
	v1 =	vadd.f32 v1, v7;
	v7 =	vmul.f32 $8.000000000e+00, v60;
	v63 =	vld [tilespmem:s17+$0x0]  }
0xda: {  	[tilespmem:s1+$0x20] =	vst v3;
	v4 =	vadd.f32 v61, v4;
	v3 =	vld [tilespmem:s13+$0xFFFFFFF0]  }
0xdb: {  	v2 =	vld [tilespmem:s13+$0x30];
	[tilespmem:s1+$0xFFFFFFB0] =	vst v1;
	v1 =	vadd.f32 v62, v7;
	v7 =	vadd.f32 v9, v0;
	v9 =	vmul.f32 $8.000000000e+00, v10  }
0xdc: {  	[tilespmem:s13+$0xFFFFFFA0] =	vst v4;
	v4 =	vld [tilespmem:s6+$0xFFFFFFC0];
	v10 =	vmul.f32 $8.000000000e+00, v6  }
0xdd: {  	v0 =	vmul.f32 $8.000000000e+00, v5;
	v5 =	vld [tilespmem:s17+$0xFFFFFF40];
	[tilespmem:s13+$0xFFFFFFE0] =	vst v1;
	v8 =	vadd.f32 v8, v9  }
0xde: {  	s7 =	simm.s32 $0x61F0;
	s11 =	simm.s32 $0xE280;
	s6 =	simm.s32 $0x4;
	[tilespmem:s1+$0xFFFFFFF0] =	vst v7;
	v1 =	vmul.f32 $8.000000000e+00, v11;
	v6 =	vld [tilespmem:s17+$0xFFFFFF80];
	v7 =	vadd.f32 v63, v10  }
.LBB2_5:
0xdf: {  	v9 =	vld [tilespmem:s11+$0x40];
	s6 =	sadd.s32 $0x4, s6;
	v3 =	vmul.f32 $8.000000000e+00, v3;
	[tilespmem:s13+$0x20] =	vst v8  }
0xe0: {  	s17 =	sadd.s32 $0x100, s17;
	v8 =	vld [tilespmem:s11+$0xFFFFFFC0];
	p0 =	slt.u32 s6, $0x7C;
	v2 =	vmul.f32 $8.000000000e+00, v2;
	[tilespmem:s13+$0x70] =	vst v7  }
0xe1: {  	v7 =	vld [tilespmem:s17+$0xFFFFFFD0];
	v4 =	vadd.f32 v4, v0  }
0xe2: {  	v10 =	vld [tilespmem:s11+$0x0];
	v1 =	vadd.f32 v5, v1;
	v0 =	vmov v2  }
0xe3: {  	v2 =	vld [tilespmem:s11+$0xFFFFFF80];
	v3 =	vadd.f32 v6, v3;
	[tilespmem:s1+$0x30] =	vst v4;
	s1 =	smov.u32 s13;
	s13 =	smov.u32 s11  }
0xe4: {  	v4 =	vld [tilespmem:s17+$0xFFFFFF10];
	v5 =	vmul.f32 $8.000000000e+00, v9;
	[tilespmem:s1+$0xFFFFFFB0] =	vst v1  }
0xe5: {  	v1 =	vmul.f32 $8.000000000e+00, v8;
	v6 =	vld [tilespmem:s17+$0xFFFFFF50];
	[tilespmem:s1+$0xFFFFFFF0] =	vst v3  }
0xe6: {  	v3 =	vld [tilespmem:s17+$0xFFFFFF90];
	v5 =	vadd.f32 v7, v5  }
0xe7: {  	v7 =	vmul.f32 $8.000000000e+00, v10;
	v8 =	vld [tilespmem:s11+$0x50]  }
0xe8: {  	v2 =	vmul.f32 $8.000000000e+00, v2;
	v9 =	vld [tilespmem:s11+$0xFFFFFF90];
	[tilespmem:s11+$0x40] =	vst v5  }
0xe9: {  	v5 =	vld [tilespmem:s17+$0xFFFFFFE0]  }
0xea: {  	v2 =	vadd.f32 v4, v2;
	v1 =	vadd.f32 v6, v1;
	v4 =	vld [tilespmem:s11+$0xFFFFFFD0]  }
0xeb: {  	v3 =	vadd.f32 v3, v7;
	v6 =	vld [tilespmem:s11+$0x10]  }
0xec: {  	[tilespmem:s11+$0xFFFFFF80] =	vst v2;
	v2 =	vld [tilespmem:s11+$0xFFFFFFA0];
	v7 =	vmul.f32 $8.000000000e+00, v8  }
0xed: {  	v8 =	vmul.f32 $8.000000000e+00, v9;
	v9 =	vld [tilespmem:s17+$0xFFFFFF20];
	[tilespmem:s11+$0xFFFFFFC0] =	vst v1  }
0xee: {  	v1 =	vld [tilespmem:s17+$0xFFFFFF60];
	[tilespmem:s11+$0x0] =	vst v3;
	v3 =	vadd.f32 v5, v7  }
0xef: {  	v4 =	vmul.f32 $8.000000000e+00, v4;
	v5 =	vld [tilespmem:s11+$0x60]  }
0xf0: {  	v6 =	vmul.f32 $8.000000000e+00, v6;
	v7 =	vld [tilespmem:s17+$0xFFFFFFA0];
	[tilespmem:s11+$0x50] =	vst v3  }
0xf1: {  	v2 =	vmul.f32 $8.000000000e+00, v2;
	v3 =	vld [tilespmem:s17+$0xFFFFFFF0]  }
0xf2: {  	v8 =	vadd.f32 v9, v8;
	v9 =	vld [tilespmem:s11+$0xFFFFFFE0]  }
0xf3: {  	v1 =	vadd.f32 v1, v4;
	v4 =	vld [tilespmem:s11+$0x20]  }
0xf4: {  	[tilespmem:s11+$0xFFFFFF90] =	vst v8;
	v8 =	vld [tilespmem:s11+$0xFFFFFFB0];
	v5 =	vmul.f32 $8.000000000e+00, v5  }
0xf5: {  	v10 =	vld [tilespmem:s17+$0xFFFFFF30];
	[tilespmem:s11+$0xFFFFFFD0] =	vst v1;
	v1 =	vadd.f32 v7, v6  }
0xf6: {  	v6 =	vld [tilespmem:s17+$0xFFFFFF70];
	v3 =	vadd.f32 v3, v5  }
0xf7: {  	v5 =	vmul.f32 $8.000000000e+00, v9;
	[tilespmem:s11+$0x10] =	vst v1;
	v7 =	vld [tilespmem:s11+$0x70]  }
0xf8: {  	v9 =	vmul.f32 $8.000000000e+00, v4;
	v11 =	vld [tilespmem:s17+$0xFFFFFFB0];
	[tilespmem:s11+$0x60] =	vst v3  }
0xf9: {  	v1 =	vmul.f32 $8.000000000e+00, v8;
	v12 =	vld [tilespmem:s17+$0x0]  }
.Ltmp3:
0xfa: {  	v4 =	vadd.f32 v10, v2;
	v3 =	vld [tilespmem:s11+$0xFFFFFFF0];
	(pc) =	sbr.rel @p0 .LBB2_5-.Ltmp3, $4  }
0xfb: {  	v6 =	vadd.f32 v6, v5;
	v2 =	vld [tilespmem:s11+$0x30]  }
0xfc: {  	[tilespmem:s11+$0xFFFFFFA0] =	vst v4;
	v7 =	vmul.f32 $8.000000000e+00, v7;
	v4 =	vld [tilespmem:s7+$0xFFFFFFC0];
	s7 =	smov.u32 s17  }
0xfd: {  	v5 =	vld [tilespmem:s17+$0xFFFFFF40];
	[tilespmem:s11+$0xFFFFFFE0] =	vst v6;
	v8 =	vadd.f32 v11, v9  }
0xfe: {  	s11 =	sadd.s32 $0x100, s11;
	v6 =	vld [tilespmem:s17+$0xFFFFFF80];
	v7 =	vadd.f32 v12, v7  }
0xff: {  	[tilespmem:s13+$0x20] =	vst v8  }
0x100: {  	v8 =	vld [tilespmem:s7+$0xFFFFFFC0];
	_ =	sdelay $0x1  }
0x101: {  	v3 =	vmul.f32 $8.000000000e+00, v3;
	v0 =	vadd.f32 v4, v0  }
0x102: {  	v2 =	vmul.f32 $8.000000000e+00, v2;
	[tilespmem:s13+$0x70] =	vst v7;
	v1 =	vadd.f32 v5, v1  }
0x103: {  	v3 =	vadd.f32 v6, v3;
	[tilespmem:s1+$0x30] =	vst v0  }
0x104: {  	[tilespmem:s13+$0xFFFFFFB0] =	vst v1;
	v0 =	vadd.f32 v8, v2  }
0x105: {  	p0 =	seq.s32 s30, $0x1F;
	[tilespmem:s13+$0xFFFFFFF0] =	vst v3  }
0x106: {  	s17 =	sadd.s32 s31, s8;
	s1 =	simm.s32 @!p0 $0x5;
	[tilespmem:s13+$0x30] =	vst v0  }
0x107: {  	[hbm4b:s17+s3] =	stream.linear.scatter [tilespmem:s16], [sflag:$0x6], $0x2000, $0x38;
	[tilespmem:$0x14000] =	vst v63  }
0x108: {  	_ =	swait.ge @!p0 [sflag:s1], $0x2000  }
0x109: {  	s6 =	simm.s32 @!p0 $0x80;
	[sflag:s1] =	ssyncset.done @!p0 $0x0  }
0x10a: {  	s7 =	simm.s32 @!p0 $0xC000;
	[sflag:s1] =	ssyncadd.s32 @!p0 $0xFFFFE000;
	s1 =	sadd.s32 @!p0 $0x200, s0  }
0x10b: {  	[tilespmem:s7], [sflag:$0x1] =	stream.indirect.gather @!p0 [hbm4b:s5+s6], $0x40, s1, s6, $0xb8;
	[tilespmem:$0x14000] =	vst v63  }
0x10c: {  	_ =	swait.ge [sflag:s22], $0x2000  }
0x10d: {  	[sflag:s22] =	ssyncset.done $0x0  }
0x10e: {  	s1 =	simm.s32 $0x0;
	[sflag:s22] =	ssyncadd.s32 $0xFFFFE000  }
0x10f: {  	v0 =	vld [tilespmem:s1+$0x100F0]  }
0x110: {  	v1 =	vld [tilespmem:s1+$0x10000]  }
0x111: {  	v2 =	vld [tilespmem:s1+$0x80F0]  }
0x112: {  	v3 =	vld [tilespmem:s1+$0x10010]  }
0x113: {  	v4 =	vld [tilespmem:s1+$0x10020]  }
0x114: {  	v5 =	vld [tilespmem:s1+$0x10030]  }
0x115: {  	v6 =	vld [tilespmem:s1+$0x10040]  }
0x116: {  	v7 =	vld [tilespmem:s1+$0x10050]  }
0x117: {  	v8 =	vld [tilespmem:s1+$0x10060]  }
0x118: {  	v9 =	vld [tilespmem:s1+$0x10070]  }
0x119: {  	v10 =	vld [tilespmem:s1+$0x10080]  }
0x11a: {  	v11 =	vld [tilespmem:s1+$0x100A0]  }
0x11b: {  	v12 =	vld [tilespmem:s1+$0x100C0]  }
0x11c: {  	v13 =	vld [tilespmem:s1+$0x100D0]  }
0x11d: {  	v14 =	vld [tilespmem:s1+$0x100E0]  }
0x11e: {  	v15 =	vld [tilespmem:s1+$0x8000]  }
0x11f: {  	v16 =	vld [tilespmem:s1+$0x8010]  }
0x120: {  	v17 =	vld [tilespmem:s1+$0x8020]  }
0x121: {  	v18 =	vld [tilespmem:s1+$0x8030]  }
0x122: {  	v19 =	vld [tilespmem:s1+$0x8040];
	v0 =	vmul.f32 $8.000000000e+00, v0  }
0x123: {  	v61 =	vld [tilespmem:s1+$0x8060];
	v1 =	vmul.f32 $8.000000000e+00, v1  }
0x124: {  	v3 =	vmul.f32 $8.000000000e+00, v3;
	v0 =	vadd.f32 v2, v0;
	v2 =	vld [tilespmem:s1+$0x10090]  }
0x125: {  	v6 =	vmul.f32 $8.000000000e+00, v6;
	v1 =	vadd.f32 v15, v1;
	v15 =	vld [tilespmem:s1+$0x8050]  }
0x126: {  	v62 =	vld [tilespmem:s1+$0x8070];
	v4 =	vmul.f32 $8.000000000e+00, v4;
	v3 =	vadd.f32 v16, v3;
	[tilespmem:s1+$0x100F0] =	vst v0  }
0x127: {  	v5 =	vmul.f32 $8.000000000e+00, v5;
	v20 =	vmul.f32 $8.000000000e+00, v9;
	v9 =	vadd.f32 v19, v6;
	v0 =	vld [tilespmem:s1+$0x100B0];
	[tilespmem:s1+$0x10000] =	vst v1  }
0x128: {  	v63 =	vld [tilespmem:s1+$0x8080];
	v1 =	vadd.f32 v17, v4;
	v4 =	vmul.f32 $8.000000000e+00, v7;
	[tilespmem:s1+$0x10010] =	vst v3  }
0x129: {  	v8 =	vmul.f32 $8.000000000e+00, v8;
	v6 =	vld [tilespmem:s1+$0x8090];
	v3 =	vadd.f32 v18, v5;
	[tilespmem:s1+$0x10040] =	vst v9  }
0x12a: {  	v7 =	vld [tilespmem:s1+$0x80A0];
	[tilespmem:s1+$0x10020] =	vst v1;
	v5 =	vmul.f32 $8.000000000e+00, v2;
	v2 =	vadd.f32 v15, v4  }
0x12b: {  	v10 =	vmul.f32 $8.000000000e+00, v10;
	[tilespmem:s1+$0x10030] =	vst v3;
	v4 =	vmul.f32 $8.000000000e+00, v11;
	v11 =	vadd.f32 v61, v8;
	v8 =	vld [tilespmem:s1+$0x80B0]  }
0x12c: {  	v9 =	vld [tilespmem:s1+$0x80C0];
	v3 =	vmul.f32 $8.000000000e+00, v12;
	v12 =	vadd.f32 v62, v20;
	v1 =	vmul.f32 $8.000000000e+00, v0;
	[tilespmem:s1+$0x10050] =	vst v2  }
0x12d: {  	s6 =	simm.s32 $0x0;
	s7 =	simm.s32 $0x400;
	v0 =	vmul.f32 $8.000000000e+00, v13;
	v2 =	vmul.f32 $8.000000000e+00, v14;
	[tilespmem:s1+$0x10060] =	vst v11;
	v11 =	vadd.f32 v63, v10;
	v10 =	vld [tilespmem:s1+$0x80D0]  }
.LBB2_7:
0x12e: {  	s11 =	sshra.s32 s7, $0x2;
	s6 =	sadd.s32 $0x4, s6;
	[tilespmem:s1+$0x10070] =	vst v12;
	v5 =	vadd.f32 v6, v5;
	v6 =	vld [tilespmem:s1+$0x80E0]  }
0x12f: {  	v12 =	vld [tilespmem:s11+$0x100F0];
	p1 =	slt.u32 s6, $0x7C;
	[tilespmem:s1+$0x10080] =	vst v11;
	v4 =	vadd.f32 v7, v4  }
0x130: {  	v7 =	vld [tilespmem:s11+$0x10000];
	[tilespmem:s1+$0x10090] =	vst v5;
	v1 =	vadd.f32 v8, v1  }
0x131: {  	v5 =	vld [tilespmem:s11+$0x80F0];
	[tilespmem:s1+$0x100A0] =	vst v4;
	v3 =	vadd.f32 v9, v3  }
0x132: {  	v4 =	vld [tilespmem:s11+$0x10010];
	[tilespmem:s1+$0x100B0] =	vst v1;
	v0 =	vadd.f32 v10, v0  }
0x133: {  	v1 =	vld [tilespmem:s11+$0x10020];
	[tilespmem:s1+$0x100C0] =	vst v3;
	v2 =	vadd.f32 v6, v2  }
0x134: {  	v3 =	vld [tilespmem:s11+$0x10030];
	v6 =	vmul.f32 $8.000000000e+00, v12;
	[tilespmem:s1+$0x100D0] =	vst v0  }
0x135: {  	v7 =	vmul.f32 $8.000000000e+00, v7;
	v0 =	vld [tilespmem:s11+$0x10040];
	[tilespmem:s1+$0x100E0] =	vst v2;
	s1 =	smov.u32 s11  }
0x136: {  	v2 =	vld [tilespmem:s1+$0x10050];
	v5 =	vadd.f32 v5, v6  }
0x137: {  	v6 =	vmul.f32 $8.000000000e+00, v4;
	v4 =	vld [tilespmem:s1+$0x10060]  }
0x138: {  	v8 =	vmul.f32 $8.000000000e+00, v1;
	v1 =	vld [tilespmem:s1+$0x10070];
	[tilespmem:s1+$0x100F0] =	vst v5  }
0x139: {  	v9 =	vmul.f32 $8.000000000e+00, v3;
	v3 =	vld [tilespmem:s1+$0x10080]  }
0x13a: {  	v10 =	vmul.f32 $8.000000000e+00, v0;
	v0 =	vld [tilespmem:s1+$0x10090]  }
0x13b: {  	v11 =	vmul.f32 $8.000000000e+00, v2;
	v2 =	vld [tilespmem:s1+$0x100A0]  }
0x13c: {  	v12 =	vmul.f32 $8.000000000e+00, v4;
	v13 =	vld [tilespmem:s1+$0x100B0]  }
0x13d: {  	v14 =	vmul.f32 $8.000000000e+00, v1;
	v15 =	vld [tilespmem:s1+$0x100C0]  }
0x13e: {  	v16 =	vmul.f32 $8.000000000e+00, v3;
	v17 =	vld [tilespmem:s1+$0x100D0]  }
0x13f: {  	v5 =	vmul.f32 $8.000000000e+00, v0;
	v18 =	vld [tilespmem:s1+$0x100E0]  }
0x140: {  	v19 =	vld [tilespmem:s1+$0x8000];
	v4 =	vmul.f32 $8.000000000e+00, v2  }
0x141: {  	v20 =	vld [tilespmem:s1+$0x8010];
	v1 =	vmul.f32 $8.000000000e+00, v13  }
0x142: {  	v13 =	vld [tilespmem:s1+$0x8020];
	v3 =	vmul.f32 $8.000000000e+00, v15  }
0x143: {  	v15 =	vld [tilespmem:s1+$0x8030];
	v0 =	vmul.f32 $8.000000000e+00, v17  }
0x144: {  	v17 =	vld [tilespmem:s1+$0x8040];
	v2 =	vmul.f32 $8.000000000e+00, v18  }
0x145: {  	v7 =	vadd.f32 v19, v7;
	v18 =	vld [tilespmem:s1+$0x8050]  }
0x146: {  	v6 =	vadd.f32 v20, v6;
	v19 =	vld [tilespmem:s1+$0x8060]  }
0x147: {  	[tilespmem:s1+$0x10000] =	vst v7;
	v7 =	vadd.f32 v13, v8;
	v13 =	vld [tilespmem:s1+$0x8070]  }
0x148: {  	[tilespmem:s1+$0x10010] =	vst v6;
	v8 =	vadd.f32 v15, v9;
	v15 =	vld [tilespmem:s1+$0x8080]  }
.Ltmp4:
0x149: {  	[tilespmem:s1+$0x10020] =	vst v7;
	v9 =	vadd.f32 v17, v10;
	v6 =	vld [tilespmem:s1+$0x8090];
	(pc) =	sbr.rel @p1 .LBB2_7-.Ltmp4, $4  }
0x14a: {  	[tilespmem:s1+$0x10030] =	vst v8;
	v10 =	vadd.f32 v18, v11;
	v7 =	vld [tilespmem:s1+$0x80A0]  }
0x14b: {  	[tilespmem:s1+$0x10040] =	vst v9;
	v11 =	vadd.f32 v19, v12;
	v8 =	vld [tilespmem:s1+$0x80B0]  }
0x14c: {  	[tilespmem:s1+$0x10050] =	vst v10;
	v12 =	vadd.f32 v13, v14;
	v9 =	vld [tilespmem:s1+$0x80C0]  }
0x14d: {  	s7 =	sadd.s32 $0x400, s7;
	[tilespmem:s1+$0x10060] =	vst v11;
	v11 =	vadd.f32 v15, v16;
	v10 =	vld [tilespmem:s1+$0x80D0]  }
0x14e: {  	[tilespmem:s1+$0x10070] =	vst v12;
	v5 =	vadd.f32 v6, v5;
	v6 =	vld [tilespmem:s1+$0x80E0]  }
0x14f: {  	[tilespmem:s1+$0x10080] =	vst v11;
	v4 =	vadd.f32 v7, v4  }
0x150: {  	[tilespmem:s1+$0x10090] =	vst v5;
	v1 =	vadd.f32 v8, v1  }
0x151: {  	[tilespmem:s1+$0x100A0] =	vst v4;
	v3 =	vadd.f32 v9, v3  }
0x152: {  	[tilespmem:s1+$0x100B0] =	vst v1;
	v0 =	vadd.f32 v10, v0  }
0x153: {  	[tilespmem:s1+$0x100C0] =	vst v3;
	v1 =	vadd.f32 v6, v2  }
0x154: {  	[tilespmem:s1+$0x100D0] =	vst v0  }
0x155: {  	s17 =	sadd.s32 s31, s9;
	[tilespmem:s1+$0x100E0] =	vst v1;
	s1 =	simm.s32 @!p0 $0x6  }
0x156: {  	[hbm4b:s17+s3] =	stream.linear.scatter [tilespmem:s18], [sflag:$0x7], $0x2000, $0x38;
	[tilespmem:$0x14000] =	vst v63  }
0x157: {  	_ =	swait.ge @!p0 [sflag:s1], $0x2000  }
0x158: {  	s6 =	simm.s32 @!p0 $0x80;
	[sflag:s1] =	ssyncset.done @!p0 $0x0  }
0x159: {  	s7 =	simm.s32 @!p0 $0xE000;
	[sflag:s1] =	ssyncadd.s32 @!p0 $0xFFFFE000;
	s1 =	sadd.s32 @!p0 $0x280, s0  }
0x15a: {  	[tilespmem:s7], [sflag:$0x2] =	stream.indirect.gather @!p0 [hbm4b:s5+s6], $0x40, s1, s6, $0xb8;
	[tilespmem:$0x14000] =	vst v63  }
0x15b: {  	_ =	swait.ge [sflag:s23], $0x2000  }
0x15c: {  	[sflag:s23] =	ssyncset.done $0x0  }
0x15d: {  	s1 =	simm.s32 $0x0;
	[sflag:s23] =	ssyncadd.s32 $0xFFFFE000  }
0x15e: {  	v0 =	vld [tilespmem:s1+$0x120F0]  }
0x15f: {  	v1 =	vld [tilespmem:s1+$0x12000]  }
0x160: {  	v2 =	vld [tilespmem:s1+$0xA0F0]  }
0x161: {  	v3 =	vld [tilespmem:s1+$0x12010]  }
0x162: {  	v4 =	vld [tilespmem:s1+$0x12020]  }
0x163: {  	v5 =	vld [tilespmem:s1+$0x12030]  }
0x164: {  	v6 =	vld [tilespmem:s1+$0x12040]  }
0x165: {  	v7 =	vld [tilespmem:s1+$0x12050]  }
0x166: {  	v8 =	vld [tilespmem:s1+$0x12060]  }
0x167: {  	v9 =	vld [tilespmem:s1+$0x12070]  }
0x168: {  	v10 =	vld [tilespmem:s1+$0x12080]  }
0x169: {  	v11 =	vld [tilespmem:s1+$0x120A0]  }
0x16a: {  	v12 =	vld [tilespmem:s1+$0x120C0]  }
0x16b: {  	v13 =	vld [tilespmem:s1+$0x120D0]  }
0x16c: {  	v14 =	vld [tilespmem:s1+$0x120E0]  }
0x16d: {  	v15 =	vld [tilespmem:s1+$0xA000]  }
0x16e: {  	v16 =	vld [tilespmem:s1+$0xA010]  }
0x16f: {  	v17 =	vld [tilespmem:s1+$0xA020]  }
0x170: {  	v18 =	vld [tilespmem:s1+$0xA030]  }
0x171: {  	v19 =	vld [tilespmem:s1+$0xA040];
	v0 =	vmul.f32 $8.000000000e+00, v0  }
0x172: {  	v61 =	vld [tilespmem:s1+$0xA060];
	v1 =	vmul.f32 $8.000000000e+00, v1  }
0x173: {  	v3 =	vmul.f32 $8.000000000e+00, v3;
	v0 =	vadd.f32 v2, v0;
	v2 =	vld [tilespmem:s1+$0x12090]  }
0x174: {  	v6 =	vmul.f32 $8.000000000e+00, v6;
	v1 =	vadd.f32 v15, v1;
	v15 =	vld [tilespmem:s1+$0xA050]  }
0x175: {  	v62 =	vld [tilespmem:s1+$0xA070];
	v4 =	vmul.f32 $8.000000000e+00, v4;
	v3 =	vadd.f32 v16, v3;
	[tilespmem:s1+$0x120F0] =	vst v0  }
0x176: {  	v5 =	vmul.f32 $8.000000000e+00, v5;
	v20 =	vmul.f32 $8.000000000e+00, v9;
	v9 =	vadd.f32 v19, v6;
	v0 =	vld [tilespmem:s1+$0x120B0];
	[tilespmem:s1+$0x12000] =	vst v1  }
0x177: {  	v63 =	vld [tilespmem:s1+$0xA080];
	v1 =	vadd.f32 v17, v4;
	v4 =	vmul.f32 $8.000000000e+00, v7;
	[tilespmem:s1+$0x12010] =	vst v3  }
0x178: {  	v8 =	vmul.f32 $8.000000000e+00, v8;
	v6 =	vld [tilespmem:s1+$0xA090];
	v3 =	vadd.f32 v18, v5;
	[tilespmem:s1+$0x12040] =	vst v9  }
0x179: {  	v7 =	vld [tilespmem:s1+$0xA0A0];
	[tilespmem:s1+$0x12020] =	vst v1;
	v5 =	vmul.f32 $8.000000000e+00, v2;
	v2 =	vadd.f32 v15, v4  }
0x17a: {  	v10 =	vmul.f32 $8.000000000e+00, v10;
	[tilespmem:s1+$0x12030] =	vst v3;
	v4 =	vmul.f32 $8.000000000e+00, v11;
	v11 =	vadd.f32 v61, v8;
	v8 =	vld [tilespmem:s1+$0xA0B0]  }
0x17b: {  	v9 =	vld [tilespmem:s1+$0xA0C0];
	v3 =	vmul.f32 $8.000000000e+00, v12;
	v12 =	vadd.f32 v62, v20;
	v1 =	vmul.f32 $8.000000000e+00, v0;
	[tilespmem:s1+$0x12050] =	vst v2  }
0x17c: {  	s6 =	simm.s32 $0x0;
	s7 =	simm.s32 $0x400;
	v0 =	vmul.f32 $8.000000000e+00, v13;
	v2 =	vmul.f32 $8.000000000e+00, v14;
	[tilespmem:s1+$0x12060] =	vst v11;
	v11 =	vadd.f32 v63, v10;
	v10 =	vld [tilespmem:s1+$0xA0D0]  }
.LBB2_9:
0x17d: {  	s11 =	sshra.s32 s7, $0x2;
	s6 =	sadd.s32 $0x4, s6;
	[tilespmem:s1+$0x12070] =	vst v12;
	v5 =	vadd.f32 v6, v5;
	v6 =	vld [tilespmem:s1+$0xA0E0]  }
0x17e: {  	v12 =	vld [tilespmem:s11+$0x120F0];
	p1 =	slt.u32 s6, $0x7C;
	[tilespmem:s1+$0x12080] =	vst v11;
	v4 =	vadd.f32 v7, v4  }
0x17f: {  	v7 =	vld [tilespmem:s11+$0x12000];
	[tilespmem:s1+$0x12090] =	vst v5;
	v1 =	vadd.f32 v8, v1  }
0x180: {  	v5 =	vld [tilespmem:s11+$0xA0F0];
	[tilespmem:s1+$0x120A0] =	vst v4;
	v3 =	vadd.f32 v9, v3  }
0x181: {  	v4 =	vld [tilespmem:s11+$0x12010];
	[tilespmem:s1+$0x120B0] =	vst v1;
	v0 =	vadd.f32 v10, v0  }
0x182: {  	v1 =	vld [tilespmem:s11+$0x12020];
	[tilespmem:s1+$0x120C0] =	vst v3;
	v2 =	vadd.f32 v6, v2  }
0x183: {  	v3 =	vld [tilespmem:s11+$0x12030];
	v6 =	vmul.f32 $8.000000000e+00, v12;
	[tilespmem:s1+$0x120D0] =	vst v0  }
0x184: {  	v7 =	vmul.f32 $8.000000000e+00, v7;
	v0 =	vld [tilespmem:s11+$0x12040];
	[tilespmem:s1+$0x120E0] =	vst v2;
	s1 =	smov.u32 s11  }
0x185: {  	v2 =	vld [tilespmem:s1+$0x12050];
	v5 =	vadd.f32 v5, v6  }
0x186: {  	v6 =	vmul.f32 $8.000000000e+00, v4;
	v4 =	vld [tilespmem:s1+$0x12060]  }
0x187: {  	v8 =	vmul.f32 $8.000000000e+00, v1;
	v1 =	vld [tilespmem:s1+$0x12070];
	[tilespmem:s1+$0x120F0] =	vst v5  }
0x188: {  	v9 =	vmul.f32 $8.000000000e+00, v3;
	v3 =	vld [tilespmem:s1+$0x12080]  }
0x189: {  	v10 =	vmul.f32 $8.000000000e+00, v0;
	v0 =	vld [tilespmem:s1+$0x12090]  }
0x18a: {  	v11 =	vmul.f32 $8.000000000e+00, v2;
	v2 =	vld [tilespmem:s1+$0x120A0]  }
0x18b: {  	v12 =	vmul.f32 $8.000000000e+00, v4;
	v13 =	vld [tilespmem:s1+$0x120B0]  }
0x18c: {  	v14 =	vmul.f32 $8.000000000e+00, v1;
	v15 =	vld [tilespmem:s1+$0x120C0]  }
0x18d: {  	v16 =	vmul.f32 $8.000000000e+00, v3;
	v17 =	vld [tilespmem:s1+$0x120D0]  }
0x18e: {  	v5 =	vmul.f32 $8.000000000e+00, v0;
	v18 =	vld [tilespmem:s1+$0x120E0]  }
0x18f: {  	v19 =	vld [tilespmem:s1+$0xA000];
	v4 =	vmul.f32 $8.000000000e+00, v2  }
0x190: {  	v20 =	vld [tilespmem:s1+$0xA010];
	v1 =	vmul.f32 $8.000000000e+00, v13  }
0x191: {  	v13 =	vld [tilespmem:s1+$0xA020];
	v3 =	vmul.f32 $8.000000000e+00, v15  }
0x192: {  	v15 =	vld [tilespmem:s1+$0xA030];
	v0 =	vmul.f32 $8.000000000e+00, v17  }
0x193: {  	v17 =	vld [tilespmem:s1+$0xA040];
	v2 =	vmul.f32 $8.000000000e+00, v18  }
0x194: {  	v7 =	vadd.f32 v19, v7;
	v18 =	vld [tilespmem:s1+$0xA050]  }
0x195: {  	v6 =	vadd.f32 v20, v6;
	v19 =	vld [tilespmem:s1+$0xA060]  }
0x196: {  	[tilespmem:s1+$0x12000] =	vst v7;
	v7 =	vadd.f32 v13, v8;
	v13 =	vld [tilespmem:s1+$0xA070]  }
0x197: {  	[tilespmem:s1+$0x12010] =	vst v6;
	v8 =	vadd.f32 v15, v9;
	v15 =	vld [tilespmem:s1+$0xA080]  }
.Ltmp5:
0x198: {  	[tilespmem:s1+$0x12020] =	vst v7;
	v9 =	vadd.f32 v17, v10;
	v6 =	vld [tilespmem:s1+$0xA090];
	(pc) =	sbr.rel @p1 .LBB2_9-.Ltmp5, $4  }
0x199: {  	[tilespmem:s1+$0x12030] =	vst v8;
	v10 =	vadd.f32 v18, v11;
	v7 =	vld [tilespmem:s1+$0xA0A0]  }
0x19a: {  	[tilespmem:s1+$0x12040] =	vst v9;
	v11 =	vadd.f32 v19, v12;
	v8 =	vld [tilespmem:s1+$0xA0B0]  }
0x19b: {  	[tilespmem:s1+$0x12050] =	vst v10;
	v12 =	vadd.f32 v13, v14;
	v9 =	vld [tilespmem:s1+$0xA0C0]  }
0x19c: {  	s7 =	sadd.s32 $0x400, s7;
	[tilespmem:s1+$0x12060] =	vst v11;
	v11 =	vadd.f32 v15, v16;
	v10 =	vld [tilespmem:s1+$0xA0D0]  }
0x19d: {  	[tilespmem:s1+$0x12070] =	vst v12;
	v5 =	vadd.f32 v6, v5;
	v62 =	vld [tilespmem:s1+$0xA0E0]  }
0x19e: {  	[tilespmem:s1+$0x12080] =	vst v11;
	v4 =	vadd.f32 v7, v4  }
0x19f: {  	[tilespmem:s1+$0x12090] =	vst v5;
	v1 =	vadd.f32 v8, v1  }
0x1a0: {  	[tilespmem:s1+$0x120A0] =	vst v4;
	v3 =	vadd.f32 v9, v3  }
.Ltmp6:
0x1a1: {  	[tilespmem:s1+$0x120B0] =	vst v1;
	v0 =	vadd.f32 v10, v0;
	(pc) =	sbr.rel @p0 .LBB2_12-.Ltmp6, $4  }
0x1a2: {  	[tilespmem:s1+$0x120C0] =	vst v3;
	v63 =	vadd.f32 v62, v2  }
0x1a3: {  	[tilespmem:s1+$0x120D0] =	vst v0  }
0x1a4: {  	s31 =	sadd.s32 s31, s10;
	[tilespmem:s1+$0x120E0] =	vst v63  }
0x1a5: {  	[hbm4b:s31+s3] =	stream.linear.scatter [tilespmem:s20], [sflag:$0x8], $0x2000, $0x38;
	[tilespmem:$0x14000] =	vst v63  }
.Ltmp7:
0x1a6: {  	(pc) =	sbr.rel .LBB2_2-.Ltmp7, $4  }
0x1a7: {  	_ =	swait.ge [sflag:s26], $0x2000  }
0x1a8: {  	[sflag:s26] =	ssyncset.done $0x0  }
0x1a9: {  	s0 =	sadd.s32 $0x300, s0;
	s30 =	sadd.s32 $0x1, s30;
	[sflag:s26] =	ssyncadd.s32 $0xFFFFE000  }
0x1aa: {  	[tilespmem:s18], [sflag:$0x3] =	stream.indirect.gather [hbm4b:s5+s14], $0x40, s0, s14, $0xb8;
	[tilespmem:$0x14000] =	vst v63  }
.LBB2_13:
0x1ab: {  	_ =	sfence.sel $0x180000  }
0x1ac: {  	[bflag:$0x0] =	sbarrier.arrive $0xFFFF  }
0x1ad: {  	_ =	strace $0x90000047  }
0x1ae: {  	s0 =	stileid.u32;
	[bflag:$0x2] =	sbarrier.arrive $0xFFFF  }
0x1af: {  	p0 =	sne.s32 s0, $0x0;
	s0 =	rddreg [dreg:$0x2]  }
0x1b0: {  	s0 =	sadd.s32 @!p0 $0x100000, s0  }
0x1b1: {  	[sflag:s0] =	ssyncadd.tile.s32 @!p0 $0x1;
	_ =	shalt  }
.Lfunc_end2:
_tile_overlayer_lowered:
.L_overlay_start_2:
0x1b2: {  	(tag) =	ssettag $0x2  }
0x1b3: {  	s0 =	rddreg [dreg:$0x0];
	s2 =	stileid.u32  }
0x1b4: {  	s1 =	rddreg [dreg:$0x1];
	p0 =	sne.s32 s2, $0x0  }
0x1b5: {  	s3 =	rddreg [dreg:$0x2];
	[bflag:$0x3] =	sbarrier.arrive $0xFFFF;
	s2 =	simm.s32 @!p0 $0x1C09  }
0x1b6: {  	[timem:s3], [sflag:s2] =	dma.local @!p0 [hbm:s0], s1  }
0x1b7: {  	s0 =	simm.s32 @!p0 $0x9  }
0x1b8: {  	_ =	swait.ge @!p0 [sflag:s0], s1  }
0x1b9: {  	s1 =	ssub.s32 @!p0 $0x0, s1;
	[sflag:s0] =	ssyncset.done @!p0 $0x0  }
0x1ba: {  	[sflag:s0] =	ssyncadd.s32 @!p0 s1  }
0x1bb: {  	[bflag:$0x3] =	sbarrier.arrive $0xFFFF  }
0x1bc: {  	_ =	shalt  }

// kernel: sparse-core-data-format-call.cloned.1.call-start
scs
called_computation_lowered:
.L_overlay_start_0:
0x0: {  	s2 =	sld [smem:$0x3FD9]  }
0x1: {  	s3 =	sld [smem:$0x3FFE];
	_ =	sdelay $0x1  }
0x2: {  	s1 =	srdreg.scid  }
0x3: {  	s0 =	sand.u32 $0x1, s1  }
0x4: {  	s18 =	sshll.u32 s0, $0xA;
	s2 =	sadd.s32 s3, s2  }
0x5: {  	s2 =	sadd.s32 s2, s18  }
0x6: {  	[smem:$0x3FC5] =	sst s2  }
0x7: {  	_ = 	snop  }
0x8: {  	s2 =	sld [smem:$0x3FD0];
	(tm) =	ssettm $0x1  }
0x9: {  	s19 =	sld [smem:$0x3FFB];
	_ =	sdelay $0x3  }
0xa: {  	_ =	strace s19  }
0xb: {  	s3 =	sld [smem:$0x3FFC];
	_ =	sdelay $0x3  }
0xc: {  	_ =	strace s3  }
0xd: {  	s3 =	sld [smem:$0x3FFD];
	_ =	sdelay $0x3  }
0xe: {  	_ =	strace s3  }
0xf: {  	_ =	strace $0x8FFFFFFF  }
0x10: {  	s20 =	sld [smem:$0x3FDB];
	_ =	sdelay $0x1  }
0x11: {  	s4 =	simm.s32 $_scs_section_size  }
0x12: {  	s5 =	simm.s32 $_size__tile_overlayer_lowered;
	s6 =	simm.s32 $_tile_overlayer_lowered  }
0x13: {  	s23 =	simm.s32 $0x1BFF;
	s22 =	sshll.u32 s6, $0x1;
	s3 =	sadd.s32 s4, s20  }
0x14: {  	s7 =	simm.s32 $0x0;
	s21 =	sshll.u32 s5, $0x1;
	s5 =	sadd.s32 s22, s3  }
0x15: {  	[timem:s7], [sflag:s23] =	dma.local [hbm:s5], s21  }
0x16: {  	_ =	swait.ge [sflag:s23], s21  }
0x17: {  	s4 =	ssub.s32 $0x0, s21;
	[sflag:s23] =	ssyncset.done $0x0  }
0x18: {  	[sflag:s23] =	ssyncadd.s32 s4;
	_ =	sdelay $0x1  }
0x19: {  	s24 =	simm.s32 $0x1B8B  }
0x1a: {  	_ =	swait.ge [sflag:s24], $0x1  }
0x1b: {  	[sflag:s24] =	ssyncset.done $0x0  }
0x1c: {  	s26 =	simm.s32 $0x1B8E;
	s25 =	sld [smem:$0x3FFE];
	[sflag:s24] =	ssyncadd.s32 $0xFFFFFFFF  }
0x1d: {  	s27 =	simm.s32 $execute0_lowered;
	[smem:$0x3FD2] =	sst s26  }
0x1e: {  	s5 =	sshll.u32 s27, $0x1;
	_ =	strace $0x80000049;
	[dreg:$0x1] =	wrdreg $0xFFFFFFFF  }
0x1f: {  	s28 =	simm.s32 $_size_execute0_lowered;
	s3 =	sadd.s32 s3, s5;
	[dreg:$0x0] =	wrdreg $0x0  }
0x20: {  	s5 =	sshll.u32 s28, $0x1;
	[dreg:$0x2] =	wrdreg s3  }
0x21: {  	[dreg:$0x3] =	wrdreg s5  }
0x22: {  	[dreg:$0x4] =	wrdreg $0xC0  }
0x23: {  	_ =	task [dreg:s7], $0x5FFFF  }
0x24: {  	[dreg:$0x1] =	wrdreg $0xFFFFFFFF  }
0x25: {  	[dreg:$0x0] =	wrdreg $0x60  }
0x26: {  	[dreg:$0x2] =	wrdreg s25  }
0x27: {  	[dreg:$0x3] =	wrdreg s2  }
0x28: {  	[dreg:$0x4] =	wrdreg $0x9  }
0x29: {  	_ =	task.clear_ibuf [dreg:s7], $0x5FFFF;
	_ =	strace $0x90000049  }
0x2a: {  	s29 =	simm.s32 $0x9;
	_ =	strace $0x8000004B  }
0x2b: {  	_ =	swait.ge [sflag:s29], $0x1  }
0x2c: {  	[sflag:s29] =	ssyncadd.s32 $0xFFFFFFFF  }
0x2d: {  	_ =	strace $0x9000004B  }
0x2e: {  	_ =	sfence  }
0x2f: {  	s30 =	sld [smem:$0x0];
	_ =	sdelay $0x2  }
0x30: {  	s31 =	sshll.u32 s1, $0xD;
	s1 =	sshrl.u32 s1, $0x2  }
0x31: {  	s3 =	sand.u32 $0x4000, s31;
	s1 =	sadd.s32 s1, s30  }
0x32: {  	s0 =	sor.u32 s3, s0;
	s1 =	sshll.u32 s1, $0x11  }
0x33: {  	s0 =	sor.u32 s1, s0  }
0x34: {  	s0 =	sadd.s32 $0x8F2B, s0  }
0x35: {  	[sflag:s0] =	ssyncadd.remote.s32 $0x1  }
0x36: {  	_ =	sfence.sel $0xFFFF  }
0x37: {  	[dreg:$0x0] =	wrdreg $0xFFFFFFFF;
	(pc) =	sbr.abs _section_cstart, $3  }
0x38: {  	[dreg:$0x1] =	wrdreg $0xFFFFFFFF  }
0x39: {  	_ =	task.clear_ibuf [dreg:s7], $0x2FFFF;
	_ =	strace $0x9FFFFFFF  }
0x3a: {  	(tm) =	ssettm $0x7FFFFFFF  }
0x3b: {  	_ =	shalt  }
tec
execute0_lowered:
.L_overlay_start_1:
0x0: {  	(tag) =	ssettag $0x1  }
0x1: {  	s0 =	srdreg.scid  }
0x2: {  	s7 =	rddreg [dreg:$0x0];
	s1 =	sshll.u32 s0, $0x4  }
0x3: {  	s3 =	rddreg [dreg:$0x1];
	s0 =	stileid.u32;
	s1 =	sand.u32 $0x10, s1  }
0x4: {  	s6 =	simm.s32 $0x1;
	s31 =	simm.s32 $0x2;
	s1 =	sor.u32 s0, s1  }
0x5: {  	s13 =	simm.s32 $0x0;
	s9 =	simm.s32 $0x1000;
	s2 =	sshll.u32 s1, $0x1  }
0x6: {  	s14 =	simm.s32 $0x0;
	s10 =	simm.s32 $0x0;
	s4 =	ssub.s32 $0x400, s2  }
0x7: {  	s12 =	simm.s32 $0x0;
	s1 =	rddreg [dreg:$0x2];
	s5 =	sand.u32 $0x3E, s4  }
.Ltmp0:
0x8: {  	_ =	strace $0x8000004A;
	p0 =	sne.s32 s5, $0x0;
	(pc) =	sbr.rel .LBB1_1-.Ltmp0, $4  }
0x9: {  	s11 =	smov.u32 s2;
	s8 =	sshrl.u32 s4, $0x6;
	s6 =	simm.s32 @!p0 $0x0  }
0xa: {  	s4 =	sadd.s32 $0xC00, s7;
	s5 =	simm.s32 $0x1;
	s6 =	sadd.s32 s6, s8  }
0xb: {  	s7 =	sadd.s32 $0x2C00, s7;
	[sflag:s5] =	ssyncpa.u1 $0x0;
	s6 =	sshll.u32 s6, $0x2  }
0xc: {  	p0 =	por $0x0, $0x0;
	[sflag:s31] =	ssyncpa.u1 $0x0;
	s8 =	sor.u32 $0x1, s6  }
.LBB1_7:
0xd: {  	s15 =	sadd.s32 $0x80, s10  }
0xe: {  	s13 =	sadd.s32 $0x40, s11;
	s17 =	smov.u32 s11;
	p2 =	sgt.s32 s15, $0x1FF  }
0xf: {  	s17 =	smov.u32 @p2 s13  }
0x10: {  	s15 =	simm.s32 @p2 $0x0;
	p2 =	sgt.s32 s17, $0x3FF  }
0x11: {  	s17 =	smov.u32 @p2 s2;
	p2 =	sne.s32 s12, s8  }
.Ltmp1:
0x12: {  	p1 =	slt.u32 s12, $0x2;
	(pc) =	sbr.rel @!p2 .LBB1_8-.Ltmp1, $4  }
0x13: {  	s16 =	simm.s32 @!p1 $0x2  }
0x14: {  	s14 =	smov.u32 s11;
	p0 =	por !p0, !p0;
	_ =	swait.ge @!p1 [sflag:s16], $0x4000  }
0x15: {  	s13 =	smov.u32 s10;
	[sflag:s16] =	ssyncset.done @!p1 $0x0;
	s10 =	smov.u32 s15  }
0x16: {  	s12 =	sadd.s32 $0x1, s12;
	[sflag:s16] =	ssyncadd.s32 @!p1 $0xFFFFC000;
	s11 =	smov.u32 s17  }
.LBB1_1:
0x17: {  	p1 =	sge.u32 s12, s6  }
0x18: {  	s15 =	sxor.u32 @!p1 $0xFFFFFFFF, s12;
	s16 =	sshll.u32 @!p1 s11, $0xD  }
0x19: {  	s17 =	sshll.u32 @!p1 s10, $0x4;
	s19 =	simm.s32 @!p1 $0x40;
	s20 =	simm.s32 @!p1 $0x80  }
0x1a: {  	s15 =	sshll.u32 @!p1 s15, $0xE;
	s17 =	sand.u32 @!p1 $0x1FF0, s17;
	s18 =	sadd.s32 @!p1 s4, s16  }
0x1b: {  	s16 =	sadd.s32 @!p1 s16, s7;
	s15 =	sand.u32 @!p1 $0x4000, s15;
	s18 =	sadd.s32 @!p1 s17, s18  }
0x1c: {  	[tilespmem:s15], [sflag:$0x1] =	stream.strided.gather @!p1 [hbm4b:s18+s19], $0x2000, s20, s19, $0x38;
	[tilespmem:$0x10100] =	vst v63  }
0x1d: {  	s31 =	sadd.s32 $0xFFFFFFFF, s12;
	s16 =	sadd.s32 @!p1 s17, s16;
	s15 =	sor.u32 @!p1 $0x2000, s15  }
0x1e: {  	[tilespmem:s15], [sflag:$0x1] =	stream.strided.gather @!p1 [hbm4b:s16+s19], $0x2000, s20, s19, $0x38;
	[tilespmem:$0x10100] =	vst v63  }
0x1f: {  	p1 =	sge.u32 s31, s6  }
.Ltmp2:
0x20: {  	_ = 	snop;
	(pc) =	sbr.rel @p1 .LBB1_7-.Ltmp2, $1  }
0x21: {  	_ =	sdelay $0x3  }
0x22: {  	s15 =	simm.s32 $0x1;
	s17 =	sand.u32 $0x1, s12  }
0x23: {  	_ =	swait.ge [sflag:s5], $0x4000;
	s15 =	simm.s32 @!p0 $0x0;
	s17 =	smul.u32 $0x10200, s17  }
0x24: {  	p2 =	por $0x1, $0x1;
	[sflag:s5] =	ssyncset.done $0x0;
	s16 =	smul.u32 $0x10200, s15  }
0x25: {  	s18 =	sshll.u32 s15, $0x10;
	[sflag:s5] =	ssyncadd.s32 $0xFFFFC000;
	s30 =	sshrl.u32 s17, $0x2  }
0x26: {  	s31 =	sshrl.u32 s18, $0x2;
	s18 =	simm.s32 $0x0;
	s16 =	sshrl.u32 s16, $0x2  }
0x27: {  	s15 =	sor.u32 $0x8000, s30;
	s17 =	sadd.s32 $0x20, s31;
	s16 =	sor.u32 $0x8000, s16  }
.LBB1_3:
0x28: {  	s19 =	sshll.u32 s18, $0xD  }
0x29: {  	s19 =	sand.u32 $0x3FFFE000, s19  }
0x2a: {  	s21 =	sadd.s32 s19, s17  }
0x2b: {  	s31 =	smul.u32 $0x8100, s18;
	v3 =	vld [tilespmem:s21+$0x10]  }
0x2c: {  	v1 =	vld [tilespmem:s21+$0xFFFFFFF0]  }
0x2d: {  	s18 =	sshra.s32 s31, $0x2;
	v0 =	vld [tilespmem:s21+$0x0]  }
0x2e: {  	s18 =	sadd.s32 s18, s16;
	v2 =	vld [tilespmem:s21+$0xFFFFFFE0]  }
0x2f: {  	s19 =	sadd.s32 $0x0, s18  }
0x30: {  	p1 =	por p2, p2;
	s20 =	simm.s32 $0x4;
	s21 =	sadd.s32 $0x40, s21;
	[tilespmem:s19+$0x1830 ss:$0x81] =	vst.msk $0xffff, v3  }
.LBB1_4:
0x31: {  	v3 =	vld [tilespmem:s21+$0x10];
	p2 =	sne.s32 s20, $0x1FC;
	[tilespmem:s19+$0x810 ss:$0x81] =	vst.msk $0xffff, v1;
	s22 =	smov.u32 s20;
	s20 =	sadd.s32 $0x4, s20  }
.Ltmp3:
0x32: {  	v1 =	vld [tilespmem:s21+$0xFFFFFFF0];
	[tilespmem:s19+$0x1020 ss:$0x81] =	vst.msk $0xffff, v0;
	(pc) =	sbr.rel @p2 .LBB1_4-.Ltmp3, $4  }
0x33: {  	v0 =	vld [tilespmem:s21+$0x0];
	[tilespmem:s19+$0x0 ss:$0x81] =	vst.msk $0xffff, v2  }
0x34: {  	s19 =	sshra.s32 s22, $0x2;
	v2 =	vld [tilespmem:s21+$0xFFFFFFE0]  }
0x35: {  	s19 =	sadd.s32 s19, s18  }
0x36: {  	s21 =	sadd.s32 $0x40, s21;
	[tilespmem:s19+$0x1830 ss:$0x81] =	vst.msk $0xffff, v3  }
.Ltmp4:
0x37: {  	(pc) =	sbr.rel @p1 .LBB1_3-.Ltmp4, $4  }
0x38: {  	_ = 	snop  }
0x39: {  	[tilespmem:s19+$0x810 ss:$0x81] =	vst.msk $0xffff, v1  }
0x3a: {  	[tilespmem:s19+$0x1020 ss:$0x81] =	vst.msk $0xffff, v0  }
0x3b: {  	s18 =	simm.s32 $0x1;
	p2 =	por $0x0, $0x0;
	[tilespmem:s19+$0x0 ss:$0x81] =	vst.msk $0xffff, v2  }
.Ltmp5:
0x3c: {  	s16 =	sand.u32 $0xF80, s13;
	s14 =	sshll.u32 s14, $0xC;
	(pc) =	sbr.rel .LBB1_7-.Ltmp5, $4  }
0x3d: {  	s17 =	sshrl.u32 s13, $0x3;
	s31 =	sand.u32 $0x7, s13;
	s14 =	sadd.s32 s3, s14  }
0x3e: {  	s17 =	sand.u32 $0xF, s17;
	s13 =	sshll.u32 s31, $0x12;
	s14 =	sadd.s32 s16, s14  }
0x3f: {  	s13 =	sor.u32 $0x400, s13;
	s14 =	sadd.s32 s17, s14  }
0x40: {  	[hbm4b:s14+s13] =	stream.strided.scatter [tilespmem:s15], [sflag:$0x2], $0x4000, s9, s13, $0x20;
	[tilespmem:$0x10100] =	vst v63  }
.LBB1_8:
0x41: {  	_ =	sfence.sel $0x180000  }
0x42: {  	s2 =	simm.s32 $0x1;
	[bflag:$0x0] =	sbarrier.arrive $0xFFFF  }
0x43: {  	s31 =	simm.s32 $0x2;
	[sflag:s2] =	ssyncpa.u1 $0x1  }
0x44: {  	[sflag:s31] =	ssyncpa.u1 $0x1  }
0x45: {  	p0 =	sne.s32 s0, $0x0;
	_ =	strace $0x9000004A  }
0x46: {  	s0 =	sadd.s32 @!p0 $0x100000, s1;
	[bflag:$0x2] =	sbarrier.arrive $0xFFFF  }
0x47: {  	[sflag:s0] =	ssyncadd.tile.s32 @!p0 $0x1;
	_ =	shalt  }
.Lfunc_end1:
_tile_overlayer_lowered:
.L_overlay_start_2:
0x48: {  	(tag) =	ssettag $0x2  }
0x49: {  	s0 =	rddreg [dreg:$0x0];
	s2 =	stileid.u32  }
0x4a: {  	s1 =	rddreg [dreg:$0x1];
	p0 =	sne.s32 s2, $0x0  }
0x4b: {  	s3 =	rddreg [dreg:$0x2];
	[bflag:$0x3] =	sbarrier.arrive $0xFFFF;
	s2 =	simm.s32 @!p0 $0x1C01  }
0x4c: {  	[timem:s3], [sflag:s2] =	dma.local @!p0 [hbm:s0], s1  }
0x4d: {  	s0 =	simm.s32 @!p0 $0x1  }
0x4e: {  	_ =	swait.ge @!p0 [sflag:s0], s1  }
0x4f: {  	s1 =	ssub.s32 @!p0 $0x0, s1;
	[sflag:s0] =	ssyncset.done @!p0 $0x0  }
0x50: {  	[sflag:s0] =	ssyncadd.s32 @!p0 s1  }
0x51: {  	[bflag:$0x3] =	sbarrier.arrive $0xFFFF  }
0x52: {  	_ =	shalt  }

</sc_bundles>
